<compile_context>
chip_gen: v7x
topology: tpu7x:2x2x1
jax: 0.10.2.dev20260603
libtpu: 0.0.44.dev20260713+nightly
codegen_flags: <defaults>
</compile_context>

<pallas_src>
import functools

import jax
import jax.numpy as jnp
from jax import lax
from jax.experimental import pallas as pl
from jax.experimental.pallas import tpu as pltpu
from jax.experimental.pallas import tpu_sc as plsc

_CELL_ANGLE = 0.087890625
_CELL_DEPTH = 0.015625
_NUM_PRED = 64
_BBOX = 7
_ANCHOR_W = 3.9
_ANCHOR_L = 1.6
_L_XY, _L_WL, _L_ROT, _L_OBJ, _L_NOOBJ = 10.0, 10.0, 20.0, 20.0, 1.0
_HALF_SPAN = 180.0

_NF = 16
_NLAB = 32
_NVAL = _NLAB * _BBOX
_ROWS_PER_FRAME = _NUM_PRED * _BBOX * 32


def _sc_gather_call(preds_flat, labels_t):
    mesh = plsc.VectorSubcoreMesh(core_axis_name="c", subcore_axis_name="s")
    half = _NVAL // 2

    @functools.partial(
        pl.kernel, mesh=mesh,
        out_type=jax.ShapeDtypeStruct((_NF, _NVAL, 128), jnp.float32),
        scratch_types=[
            pltpu.VMEM((_BBOX, _NLAB), jnp.float32),
            pltpu.VMEM((half,), jnp.int32),
            pltpu.VMEM((half,), jnp.int32),
            pltpu.VMEM((half, 128), jnp.float32),
            pltpu.VMEM((half, 128), jnp.float32),
            pltpu.SemaphoreType.DMA,
        ],
    )
    def sc_kernel(preds_hbm, lab_hbm, out_hbm,
                  lab_v, idx_a, idx_b, rows_a, rows_b, sem):
        wid = lax.axis_index("s") * 2 + lax.axis_index("c")

        @pl.when(wid < _NF)
        def _():
            f = wid
            pltpu.sync_copy(lab_hbm.at[f], lab_v)
            base = f * _ROWS_PER_FRAME
            for c in range(_NLAB // 16):
                l0 = lab_v[0, pl.ds(c * 16, 16)]
                l1 = lab_v[1, pl.ds(c * 16, 16)]
                ii = ((l0 + _HALF_SPAN) / _CELL_ANGLE).astype(jnp.int32)
                jj = (l1 / _CELL_DEPTH).astype(jnp.int32)
                rowbase = base + (ii >> 7)
                for b in range(_BBOX):
                    row = ((jj * _BBOX + b) << 5) + rowbase
                    pos = b * _NLAB + c * 16
                    if pos < half:
                        idx_a[pl.ds(pos, 16)] = row
                    else:
                        idx_b[pl.ds(pos - half, 16)] = row
            cp_a = pltpu.async_copy(preds_hbm.at[idx_a], rows_a, sem)
            cp_b = pltpu.async_copy(preds_hbm.at[idx_b], rows_b, sem)
            cp_a.wait()
            cp_b.wait()
            pltpu.sync_copy(rows_a, out_hbm.at[f, pl.ds(0, half)])
            pltpu.sync_copy(rows_b, out_hbm.at[f, pl.ds(half, half)])

    return sc_kernel(preds_flat, labels_t)


def _softplus(x):
    return jnp.maximum(x, 0.0) + jnp.log(1.0 + jnp.exp(-jnp.abs(x)))


def _tc_body(obj_ref, lab_ref, g_ref, out_ref):
    f = pl.program_id(0)
    nf = pl.num_programs(0)

    row_i = lax.broadcasted_iota(jnp.int32, (8, 128), 0)
    lane_i = lax.broadcasted_iota(jnp.int32, (8, 128), 1)

    def slot(i, v):
        return jnp.where((row_i == 0) & (lane_i == i), v, 0.0)

    @pl.when(f == 0)
    def _():
        lab = lab_ref[...]
        plab0 = lab[:, :, 0] + _HALF_SPAN
        iif = jnp.floor(plab0 / _CELL_ANGLE)
        jjf = jnp.floor(lab[:, :, 1] / _CELL_DEPTH)
        eq = ((iif[:, :, None] == iif[:, None, :])
              & (jjf[:, :, None] == jjf[:, None, :]))
        k_row = lax.broadcasted_iota(jnp.int32, (_NF, _NLAB, _NLAB), 1)
        k_col = lax.broadcasted_iota(jnp.int32, (_NF, _NLAB, _NLAB), 2)
        killed = jnp.any(eq & (k_col > k_row), axis=2)
        has_labels = lab[:, 0, 6] >= 0.0
        live = jnp.logical_and(jnp.logical_not(killed), has_labels[:, None])
        livef = live.astype(jnp.float32)

        rows = g_ref[...].reshape(_NF, _BBOX, _NLAB, 128)
        lane = iif.astype(jnp.int32) & 127
        lane_oh = (lax.broadcasted_iota(jnp.int32, (_NF, _NLAB, 128), 2)
                   == lane[:, :, None])

        def sel(b):
            return jnp.sum(jnp.where(lane_oh, rows[:, b], 0.0), axis=2)

        g0, g1, g2, g3, g4, g5, g6 = (sel(b) for b in range(_BBOX))
        tx = plab0 / _CELL_ANGLE - iif
        ty = lab[:, :, 1] / _CELL_DEPTH - jjf
        tw = jnp.log(lab[:, :, 2] / _ANCHOR_W + 1e-16)
        tl = jnp.log(lab[:, :, 3] / _ANCHOR_L + 1e-16)

        sx = jax.nn.sigmoid(g0)
        sy = jax.nn.sigmoid(g1)
        l_xy = jnp.sum(livef * ((sx - tx) ** 2 + (sy - ty) ** 2))
        l_wl = jnp.sum(livef * ((g2 - tw) ** 2 + (g3 - tl) ** 2))
        l_rot = jnp.sum(livef * ((jnp.tanh(g4) - lab[:, :, 4]) ** 2
                                 + (jnp.tanh(g5) - lab[:, :, 5]) ** 2))
        pobj = jax.nn.sigmoid(g6)
        l_obj = jnp.sum(livef * (-jnp.maximum(jnp.log(pobj), -100.0)))
        noobj_corr = jnp.sum(livef * _softplus(g6))
        out_ref[...] = (slot(1, l_xy) + slot(2, l_wl) + slot(3, l_rot)
                        + slot(4, l_obj) + slot(5, -noobj_corr))

    x = obj_ref[0, :, 0]
    dense = jnp.sum(_softplus(x))
    out_ref[...] = out_ref[...] + slot(5, dense)

    @pl.when(f == nf - 1)
    def _():
        acc = out_ref[...]
        w = (slot(1, _L_XY) + slot(2, _L_WL) + slot(3, _L_ROT)
             + slot(4, _L_OBJ) + slot(5, _L_NOOBJ))
        out_ref[...] = acc + slot(0, jnp.sum(acc * w))


def kernel(preds, labels):
    nf, nchan, row_size = preds.shape
    preds5 = preds.reshape(nf, _NUM_PRED, _BBOX, row_size // 128, 128)
    preds_flat = preds.reshape(nf * nchan * (row_size // 128), 128)
    labels_t = jnp.transpose(labels, (0, 2, 1))
    gathered = _sc_gather_call(preds_flat, labels_t)
    out = pl.pallas_call(
        _tc_body,
        grid=(nf,),
        in_specs=[
            pl.BlockSpec((1, _NUM_PRED, 1, row_size // 128, 128),
                         lambda f: (f, 0, 6, 0, 0)),
            pl.BlockSpec((nf, _NLAB, _BBOX), lambda f: (0, 0, 0)),
            pl.BlockSpec((nf, _NVAL, 128), lambda f: (0, 0, 0)),
        ],
        out_specs=pl.BlockSpec((8, 128), lambda f: (0, 0)),
        out_shape=jax.ShapeDtypeStruct((8, 128), jnp.float32),
    )(preds5, labels, gathered)
    return (out[0, 0], out[0, 1], out[0, 2], out[0, 3], out[0, 4], out[0, 5])

# --- scband reference (transcript-rebuilt; emitter-appended) ---
"""Pipeline reference for scband-yolo-loss-33208687133543 (READ-ONLY COPY).

The authoritative reference and input builder live on the scoring server;
editing this copy changes nothing except your own understanding.
"""

import jax, jax.numpy as jnp
import numpy as np

CELL_ANGLE = 0.087890625
CELL_DEPTH = 0.015625
NUM_PREDICTORS = 64
NUM_ANCHORS = 1
BBOX = 7
ANCHORS = [(3.9, 1.6)]
L_XY, L_WL, L_ROT, L_OBJ, L_NOOBJ = 10.0, 10.0, 20.0, 20.0, 1.0


def setup_inputs(seed: int = 0):
    key = jax.random.key(seed)
    k1, k2 = jax.random.split(key)
    preds = jax.random.normal(k1, (16, NUM_ANCHORS * NUM_PREDICTORS * BBOX, 4096), dtype=jnp.float32)
    labels = jax.random.uniform(k2, (16, 32, BBOX), dtype=jnp.float32)
    return {"preds": preds, "labels": labels}


def _build_targets(plab, row_size):
    # mirrors the in-place numpy label processing in the torch forward
    plab = plab.at[:, 0].add(row_size * CELL_ANGLE / 2)
    ii = (plab[:, 0] // CELL_ANGLE).astype(jnp.int32)
    jj = (plab[:, 1] // CELL_DEPTH).astype(jnp.int32)
    obj_mask0 = jnp.zeros((row_size, NUM_PREDICTORS * NUM_ANCHORS), dtype=bool)
    target0 = jnp.zeros((row_size, NUM_PREDICTORS, BBOX * NUM_ANCHORS), dtype=jnp.float32)
    has_labels = plab[0, -1] >= 0.0

    def body(k, carry):
        obj_mask, target = carry
        lab = plab[k]
        lab = lab.at[0].set(lab[0] / CELL_ANGLE - ii[k].astype(jnp.float32))
        lab = lab.at[1].set(lab[1] / CELL_DEPTH - jj[k].astype(jnp.float32))
        lab = lab.at[6].set(1.0)
        obj_mask = obj_mask.at[ii[k], jj[k]].set(True)
        target = target.at[ii[k], jj[k]].set(lab)
        return obj_mask, target

    obj_mask, target = jax.lax.fori_loop(0, plab.shape[0], body, (obj_mask0, target0))
    obj_mask = jnp.logical_and(obj_mask, has_labels)
    target = jnp.where(has_labels, target, 0.0)
    return obj_mask, target


def _bce_sum(p, t, m):
    # torch.nn.BCELoss(reduction='sum') with log clamped at -100
    logp = jnp.maximum(jnp.log(p), -100.0)
    log1mp = jnp.maximum(jnp.log(1.0 - p), -100.0)
    return -jnp.sum(m * (t * logp + (1.0 - t) * log1mp))


def _transform_pred(pred_raw, row_size):
    pred = pred_raw.reshape(NUM_ANCHORS * NUM_PREDICTORS * BBOX, row_size)
    pred = pred.T.reshape(row_size, NUM_PREDICTORS, NUM_ANCHORS * BBOX)
    xy = jax.nn.sigmoid(pred[..., :2])
    wl = pred[..., 2:4]
    rot = jnp.tanh(pred[..., 4:6])
    obj = jax.nn.sigmoid(pred[..., 6:7])
    return jnp.concatenate([xy, wl, rot, obj], axis=-1)


def reference(preds, labels):
    row_size = preds.shape[-1]
    loss_xy = jnp.float32(0.0)
    loss_wl = jnp.float32(0.0)
    loss_rot = jnp.float32(0.0)
    loss_obj = jnp.float32(0.0)
    loss_noobj = jnp.float32(0.0)
    for pred_id in range(preds.shape[0]):
        pt = _transform_pred(preds[pred_id], row_size)
        obj_mask, target = _build_targets(labels[pred_id], row_size)
        m_obj = obj_mask[..., None].astype(jnp.float32)
        m_no = jnp.logical_not(obj_mask)[..., None].astype(jnp.float32)
        loss_xy = loss_xy + jnp.sum(m_obj * (pt[..., :2] - target[..., :2]) ** 2)
        t2 = jnp.log(target[..., 2:3] / ANCHORS[0][0] + 1e-16)
        t3 = jnp.log(target[..., 3:4] / ANCHORS[0][1] + 1e-16)
        target = jnp.concatenate([target[..., :2], t2, t3, target[..., 4:]], axis=-1)
        loss_wl = loss_wl + jnp.sum(m_obj * (pt[..., 2:4] - target[..., 2:4]) ** 2)
        loss_rot = loss_rot + jnp.sum(m_obj * (pt[..., 4:6] - target[..., 4:6]) ** 2)
        loss_obj = loss_obj + _bce_sum(pt[..., 6:], target[..., 6:], m_obj)
        loss_noobj = loss_noobj + _bce_sum(pt[..., 6:], target[..., 6:], m_no)
    loss = L_XY * loss_xy + L_WL * loss_wl + L_ROT * loss_rot + L_OBJ * loss_obj + L_NOOBJ * loss_noobj
    return (loss, loss_xy, loss_wl, loss_rot, loss_obj, loss_noobj)

if __name__ == "__main__":
    import jax
    _d = setup_inputs()
    print(jax.jit(kernel)(*tuple(_d.values())))

</pallas_src>

<mosaic_0001>
#map = affine_map<(d0, d1) -> (0, 0)>
#map1 = affine_map<(d0, d1) -> (0, 0, 0)>
module attributes {stable_mosaic.version = 14 : i64} {
  func.func @sc_kernel(%arg0: i32, %arg1: i32, %arg2: memref<229376x128xf32, #tpu.memory_space<hbm>>, %arg3: memref<16x7x32xf32, #tpu.memory_space<hbm>>, %arg4: memref<16x224x128xf32, #tpu.memory_space<hbm>>, %arg5: memref<7x32xf32, #tpu.memory_space<vmem>>, %arg6: memref<112xi32, #tpu.memory_space<vmem>>, %arg7: memref<112xi32, #tpu.memory_space<vmem>>, %arg8: memref<112x128xf32, #tpu.memory_space<vmem>>, %arg9: memref<112x128xf32, #tpu.memory_space<vmem>>, %arg10: memref<!tpu.dma_semaphore, #tpu.memory_space<semaphore_mem>>) attributes {dimension_semantics = [#tpu.dimension_semantics<core_parallel>, #tpu.dimension_semantics<subcore_parallel>], iteration_bounds = array<i64: 2, 16>, scalar_prefetch = 0 : i64, scratch_operands = 6 : i64, tpu.core_type = #tpu.core_type<sc_vector_subcore>, window_params = [{transform_indices = #map}, {transform_indices = #map1}, {transform_indices = #map1}]} {
    %mul3A = arith.constant 2 : i32
    %mul3A_0 = arith.muli %arg1, %mul3A : i32
    %add3A = arith.addi %mul3A_0, %arg0 : i32
    %lt3A = arith.constant 16 : i32
    %lt3A_1 = arith.cmpi slt, %add3A, %lt3A : i32
    %convert_element_type3A = arith.extui %lt3A_1 : i1 to i32
    %cond3A = arith.constant 0 : i32
    %cond3A_2 = arith.cmpi ne, %convert_element_type3A, %cond3A : i32
    scf.if %cond3A_2 {
      "tpu.region"() ({
        %run_scoped3A = tpu.sem_alloc : memref<!tpu.dma_semaphore, #tpu.memory_space<semaphore_mem>>
        %dma_start3A_258 = arith.constant 0 : i32
        %dma_start3A_259 = arith.constant 0 : i32
        %dma_start3A_260 = tpu.memref_slice %arg3[%add3A, %dma_start3A_258, %dma_start3A_259] : memref<16x7x32xf32, #tpu.memory_space<hbm>> -> memref<1x7x32xf32, #tpu.memory_space<hbm>>
        %dma_start3A_261 = tpu.memref_squeeze %dma_start3A_260 : memref<1x7x32xf32, #tpu.memory_space<hbm>> -> memref<7x32xf32, #tpu.memory_space<hbm>>
        %dma_start3A_262 = arith.constant 0 : i32
        %dma_start3A_263 = arith.constant 0 : i32
        %dma_start3A_264 = tpu.memref_slice %arg3[%add3A, %dma_start3A_262, %dma_start3A_263] : memref<16x7x32xf32, #tpu.memory_space<hbm>> -> memref<1x7x32xf32, #tpu.memory_space<hbm>>
        %dma_start3A_265 = tpu.memref_squeeze %dma_start3A_264 : memref<1x7x32xf32, #tpu.memory_space<hbm>> -> memref<7x32xf32, #tpu.memory_space<hbm>>
        tpu.enqueue_dma source(%dma_start3A_265 : memref<7x32xf32, #tpu.memory_space<hbm>>) target(%arg5 : memref<7x32xf32, #tpu.memory_space<vmem>>) target_semaphore(%run_scoped3A : memref<!tpu.dma_semaphore, #tpu.memory_space<semaphore_mem>>)
        %dma_wait3A_266 = arith.constant 0 : i32
        %dma_wait3A_267 = arith.constant 0 : i32
        %dma_wait3A_268 = tpu.memref_slice %arg3[%add3A, %dma_wait3A_266, %dma_wait3A_267] : memref<16x7x32xf32, #tpu.memory_space<hbm>> -> memref<1x7x32xf32, #tpu.memory_space<hbm>>
        %dma_wait3A_269 = tpu.memref_squeeze %dma_wait3A_268 : memref<1x7x32xf32, #tpu.memory_space<hbm>> -> memref<7x32xf32, #tpu.memory_space<hbm>>
        %dma_wait3A_270 = arith.constant 0 : i32
        %dma_wait3A_271 = arith.constant 0 : i32
        %dma_wait3A_272 = tpu.memref_slice %arg3[%add3A, %dma_wait3A_270, %dma_wait3A_271] : memref<16x7x32xf32, #tpu.memory_space<hbm>> -> memref<1x7x32xf32, #tpu.memory_space<hbm>>
        %dma_wait3A_273 = tpu.memref_squeeze %dma_wait3A_272 : memref<1x7x32xf32, #tpu.memory_space<hbm>> -> memref<7x32xf32, #tpu.memory_space<hbm>>
        tpu.wait_dma2 semaphore(%run_scoped3A : memref<!tpu.dma_semaphore, #tpu.memory_space<semaphore_mem>>) src(%dma_wait3A_273 : memref<7x32xf32, #tpu.memory_space<hbm>>) dst(%arg5 : memref<7x32xf32, #tpu.memory_space<vmem>>)
        tpu.yield
      }) : () -> ()
      %mul3A_3 = arith.constant 14336 : i32
      %mul3A_4 = arith.muli %add3A, %mul3A_3 : i32
      %get3A = arith.constant 0 : i32
      %get3A_5 = arith.index_cast %get3A : i32 to index
      %get3A_6 = arith.constant 0 : index
      %get3A_7 = tpu.vector_load %arg5[%get3A_5, %get3A_6] {strides = array<i32>} : memref<7x32xf32, #tpu.memory_space<vmem>>, vector<1x16xf32>,
      %get3A_8 = vector.shape_cast %get3A_7 : vector<1x16xf32> to vector<16xf32>
      %get3A_9 = arith.constant 1 : i32
      %get3A_10 = arith.index_cast %get3A_9 : i32 to index
      %get3A_11 = arith.constant 0 : index
      %get3A_12 = tpu.vector_load %arg5[%get3A_10, %get3A_11] {strides = array<i32>} : memref<7x32xf32, #tpu.memory_space<vmem>>, vector<1x16xf32>,
      %get3A_13 = vector.shape_cast %get3A_12 : vector<1x16xf32> to vector<16xf32>
      %add3A_14 = arith.constant 1.800000e+02 : f32
      %add3A_15 = vector.broadcast %add3A_14 : f32 to vector<16xf32>
      %add3A_16 = arith.addf %get3A_8, %add3A_15 : vector<16xf32>
      %div3A = arith.constant 0.087890625 : f32
      %div3A_17 = vector.broadcast %div3A : f32 to vector<16xf32>
      %div3A_18 = arith.divf %add3A_16, %div3A_17 : vector<16xf32>
      %convert_element_type3A_19 = arith.fptosi %div3A_18 : vector<16xf32> to vector<16xi32>
      %div3A_20 = arith.constant 1.562500e-02 : f32
      %div3A_21 = vector.broadcast %div3A_20 : f32 to vector<16xf32>
      %div3A_22 = arith.divf %get3A_13, %div3A_21 : vector<16xf32>
      %convert_element_type3A_23 = arith.fptosi %div3A_22 : vector<16xf32> to vector<16xi32>
      %shift_right_arithmetic3A = arith.constant 7 : i32
      %shift_right_arithmetic3A_24 = vector.broadcast %shift_right_arithmetic3A : i32 to vector<16xi32>
      %shift_right_arithmetic3A_25 = arith.shrsi %convert_element_type3A_19, %shift_right_arithmetic3A_24 : vector<16xi32>
      %add3A_26 = vector.broadcast %mul3A_4 : i32 to vector<16xi32>
      %add3A_27 = arith.addi %add3A_26, %shift_right_arithmetic3A_25 : vector<16xi32>
      %mul3A_28 = arith.constant 7 : i32
      %mul3A_29 = vector.broadcast %mul3A_28 : i32 to vector<16xi32>
      %mul3A_30 = arith.muli %convert_element_type3A_23, %mul3A_29 : vector<16xi32>
      %add3A_31 = arith.constant 0 : i32
      %add3A_32 = vector.broadcast %add3A_31 : i32 to vector<16xi32>
      %add3A_33 = arith.addi %mul3A_30, %add3A_32 : vector<16xi32>
      %shift_left3A = arith.constant 5 : i32
      %shift_left3A_34 = vector.broadcast %shift_left3A : i32 to vector<16xi32>
      %shift_left3A_35 = arith.shli %add3A_33, %shift_left3A_34 : vector<16xi32>
      %add3A_36 = arith.addi %shift_left3A_35, %add3A_27 : vector<16xi32>
      %swap3A = arith.constant 0 : index
      %swap3A_37 = tpu.vector_load %arg6[%swap3A] {strides = array<i32>} : memref<112xi32, #tpu.memory_space<vmem>>, vector<16xi32>,
      %swap3A_38 = vector.shape_cast %swap3A_37 : vector<16xi32> to vector<16xi32>
      %swap3A_39 = vector.shape_cast %add3A_36 : vector<16xi32> to vector<16xi32>
      tpu.vector_store %arg6[%swap3A], %swap3A_39 {strides = array<i32>} : memref<112xi32, #tpu.memory_space<vmem>>, vector<16xi32>,
      %mul3A_40 = arith.constant 7 : i32
      %mul3A_41 = vector.broadcast %mul3A_40 : i32 to vector<16xi32>
      %mul3A_42 = arith.muli %convert_element_type3A_23, %mul3A_41 : vector<16xi32>
      %add3A_43 = arith.constant 1 : i32
      %add3A_44 = vector.broadcast %add3A_43 : i32 to vector<16xi32>
      %add3A_45 = arith.addi %mul3A_42, %add3A_44 : vector<16xi32>
      %shift_left3A_46 = arith.constant 5 : i32
      %shift_left3A_47 = vector.broadcast %shift_left3A_46 : i32 to vector<16xi32>
      %shift_left3A_48 = arith.shli %add3A_45, %shift_left3A_47 : vector<16xi32>
      %add3A_49 = arith.addi %shift_left3A_48, %add3A_27 : vector<16xi32>
      %swap3A_50 = arith.constant 32 : index
      %swap3A_51 = tpu.vector_load %arg6[%swap3A_50] {strides = array<i32>} : memref<112xi32, #tpu.memory_space<vmem>>, vector<16xi32>,
      %swap3A_52 = vector.shape_cast %swap3A_51 : vector<16xi32> to vector<16xi32>
      %swap3A_53 = vector.shape_cast %add3A_49 : vector<16xi32> to vector<16xi32>
      tpu.vector_store %arg6[%swap3A_50], %swap3A_53 {strides = array<i32>} : memref<112xi32, #tpu.memory_space<vmem>>, vector<16xi32>,
      %mul3A_54 = arith.constant 7 : i32
      %mul3A_55 = vector.broadcast %mul3A_54 : i32 to vector<16xi32>
      %mul3A_56 = arith.muli %convert_element_type3A_23, %mul3A_55 : vector<16xi32>
      %add3A_57 = arith.constant 2 : i32
      %add3A_58 = vector.broadcast %add3A_57 : i32 to vector<16xi32>
      %add3A_59 = arith.addi %mul3A_56, %add3A_58 : vector<16xi32>
      %shift_left3A_60 = arith.constant 5 : i32
      %shift_left3A_61 = vector.broadcast %shift_left3A_60 : i32 to vector<16xi32>
      %shift_left3A_62 = arith.shli %add3A_59, %shift_left3A_61 : vector<16xi32>
      %add3A_63 = arith.addi %shift_left3A_62, %add3A_27 : vector<16xi32>
      %swap3A_64 = arith.constant 64 : index
      %swap3A_65 = tpu.vector_load %arg6[%swap3A_64] {strides = array<i32>} : memref<112xi32, #tpu.memory_space<vmem>>, vector<16xi32>,
      %swap3A_66 = vector.shape_cast %swap3A_65 : vector<16xi32> to vector<16xi32>
      %swap3A_67 = vector.shape_cast %add3A_63 : vector<16xi32> to vector<16xi32>
      tpu.vector_store %arg6[%swap3A_64], %swap3A_67 {strides = array<i32>} : memref<112xi32, #tpu.memory_space<vmem>>, vector<16xi32>,
      %mul3A_68 = arith.constant 7 : i32
      %mul3A_69 = vector.broadcast %mul3A_68 : i32 to vector<16xi32>
      %mul3A_70 = arith.muli %convert_element_type3A_23, %mul3A_69 : vector<16xi32>
      %add3A_71 = arith.constant 3 : i32
      %add3A_72 = vector.broadcast %add3A_71 : i32 to vector<16xi32>
      %add3A_73 = arith.addi %mul3A_70, %add3A_72 : vector<16xi32>
      %shift_left3A_74 = arith.constant 5 : i32
      %shift_left3A_75 = vector.broadcast %shift_left3A_74 : i32 to vector<16xi32>
      %shift_left3A_76 = arith.shli %add3A_73, %shift_left3A_75 : vector<16xi32>
      %add3A_77 = arith.addi %shift_left3A_76, %add3A_27 : vector<16xi32>
      %swap3A_78 = arith.constant 96 : index
      %swap3A_79 = tpu.vector_load %arg6[%swap3A_78] {strides = array<i32>} : memref<112xi32, #tpu.memory_space<vmem>>, vector<16xi32>,
      %swap3A_80 = vector.shape_cast %swap3A_79 : vector<16xi32> to vector<16xi32>
      %swap3A_81 = vector.shape_cast %add3A_77 : vector<16xi32> to vector<16xi32>
      tpu.vector_store %arg6[%swap3A_78], %swap3A_81 {strides = array<i32>} : memref<112xi32, #tpu.memory_space<vmem>>, vector<16xi32>,
      %mul3A_82 = arith.constant 7 : i32
      %mul3A_83 = vector.broadcast %mul3A_82 : i32 to vector<16xi32>
      %mul3A_84 = arith.muli %convert_element_type3A_23, %mul3A_83 : vector<16xi32>
      %add3A_85 = arith.constant 4 : i32
      %add3A_86 = vector.broadcast %add3A_85 : i32 to vector<16xi32>
      %add3A_87 = arith.addi %mul3A_84, %add3A_86 : vector<16xi32>
      %shift_left3A_88 = arith.constant 5 : i32
      %shift_left3A_89 = vector.broadcast %shift_left3A_88 : i32 to vector<16xi32>
      %shift_left3A_90 = arith.shli %add3A_87, %shift_left3A_89 : vector<16xi32>
      %add3A_91 = arith.addi %shift_left3A_90, %add3A_27 : vector<16xi32>
      %swap3A_92 = arith.constant 16 : index
      %swap3A_93 = tpu.vector_load %arg7[%swap3A_92] {strides = array<i32>} : memref<112xi32, #tpu.memory_space<vmem>>, vector<16xi32>,
      %swap3A_94 = vector.shape_cast %swap3A_93 : vector<16xi32> to vector<16xi32>
      %swap3A_95 = vector.shape_cast %add3A_91 : vector<16xi32> to vector<16xi32>
      tpu.vector_store %arg7[%swap3A_92], %swap3A_95 {strides = array<i32>} : memref<112xi32, #tpu.memory_space<vmem>>, vector<16xi32>,
      %mul3A_96 = arith.constant 7 : i32
      %mul3A_97 = vector.broadcast %mul3A_96 : i32 to vector<16xi32>
      %mul3A_98 = arith.muli %convert_element_type3A_23, %mul3A_97 : vector<16xi32>
      %add3A_99 = arith.constant 5 : i32
      %add3A_100 = vector.broadcast %add3A_99 : i32 to vector<16xi32>
      %add3A_101 = arith.addi %mul3A_98, %add3A_100 : vector<16xi32>
      %shift_left3A_102 = arith.constant 5 : i32
      %shift_left3A_103 = vector.broadcast %shift_left3A_102 : i32 to vector<16xi32>
      %shift_left3A_104 = arith.shli %add3A_101, %shift_left3A_103 : vector<16xi32>
      %add3A_105 = arith.addi %shift_left3A_104, %add3A_27 : vector<16xi32>
      %swap3A_106 = arith.constant 48 : index
      %swap3A_107 = tpu.vector_load %arg7[%swap3A_106] {strides = array<i32>} : memref<112xi32, #tpu.memory_space<vmem>>, vector<16xi32>,
      %swap3A_108 = vector.shape_cast %swap3A_107 : vector<16xi32> to vector<16xi32>
      %swap3A_109 = vector.shape_cast %add3A_105 : vector<16xi32> to vector<16xi32>
      tpu.vector_store %arg7[%swap3A_106], %swap3A_109 {strides = array<i32>} : memref<112xi32, #tpu.memory_space<vmem>>, vector<16xi32>,
      %mul3A_110 = arith.constant 7 : i32
      %mul3A_111 = vector.broadcast %mul3A_110 : i32 to vector<16xi32>
      %mul3A_112 = arith.muli %convert_element_type3A_23, %mul3A_111 : vector<16xi32>
      %add3A_113 = arith.constant 6 : i32
      %add3A_114 = vector.broadcast %add3A_113 : i32 to vector<16xi32>
      %add3A_115 = arith.addi %mul3A_112, %add3A_114 : vector<16xi32>
      %shift_left3A_116 = arith.constant 5 : i32
      %shift_left3A_117 = vector.broadcast %shift_left3A_116 : i32 to vector<16xi32>
      %shift_left3A_118 = arith.shli %add3A_115, %shift_left3A_117 : vector<16xi32>
      %add3A_119 = arith.addi %shift_left3A_118, %add3A_27 : vector<16xi32>
      %swap3A_120 = arith.constant 80 : index
      %swap3A_121 = tpu.vector_load %arg7[%swap3A_120] {strides = array<i32>} : memref<112xi32, #tpu.memory_space<vmem>>, vector<16xi32>,
      %swap3A_122 = vector.shape_cast %swap3A_121 : vector<16xi32> to vector<16xi32>
      %swap3A_123 = vector.shape_cast %add3A_119 : vector<16xi32> to vector<16xi32>
      tpu.vector_store %arg7[%swap3A_120], %swap3A_123 {strides = array<i32>} : memref<112xi32, #tpu.memory_space<vmem>>, vector<16xi32>,
      %get3A_124 = arith.constant 0 : i32
      %get3A_125 = arith.index_cast %get3A_124 : i32 to index
      %get3A_126 = arith.constant 16 : index
      %get3A_127 = tpu.vector_load %arg5[%get3A_125, %get3A_126] {strides = array<i32>} : memref<7x32xf32, #tpu.memory_space<vmem>>, vector<1x16xf32>,
      %get3A_128 = vector.shape_cast %get3A_127 : vector<1x16xf32> to vector<16xf32>
      %get3A_129 = arith.constant 1 : i32
      %get3A_130 = arith.index_cast %get3A_129 : i32 to index
      %get3A_131 = arith.constant 16 : index
      %get3A_132 = tpu.vector_load %arg5[%get3A_130, %get3A_131] {strides = array<i32>} : memref<7x32xf32, #tpu.memory_space<vmem>>, vector<1x16xf32>,
      %get3A_133 = vector.shape_cast %get3A_132 : vector<1x16xf32> to vector<16xf32>
      %add3A_134 = arith.constant 1.800000e+02 : f32
      %add3A_135 = vector.broadcast %add3A_134 : f32 to vector<16xf32>
      %add3A_136 = arith.addf %get3A_128, %add3A_135 : vector<16xf32>
      %div3A_137 = arith.constant 0.087890625 : f32
      %div3A_138 = vector.broadcast %div3A_137 : f32 to vector<16xf32>
      %div3A_139 = arith.divf %add3A_136, %div3A_138 : vector<16xf32>
      %convert_element_type3A_140 = arith.fptosi %div3A_139 : vector<16xf32> to vector<16xi32>
      %div3A_141 = arith.constant 1.562500e-02 : f32
      %div3A_142 = vector.broadcast %div3A_141 : f32 to vector<16xf32>
      %div3A_143 = arith.divf %get3A_133, %div3A_142 : vector<16xf32>
      %convert_element_type3A_144 = arith.fptosi %div3A_143 : vector<16xf32> to vector<16xi32>
      %shift_right_arithmetic3A_145 = arith.constant 7 : i32
      %shift_right_arithmetic3A_146 = vector.broadcast %shift_right_arithmetic3A_145 : i32 to vector<16xi32>
      %shift_right_arithmetic3A_147 = arith.shrsi %convert_element_type3A_140, %shift_right_arithmetic3A_146 : vector<16xi32>
      %add3A_148 = vector.broadcast %mul3A_4 : i32 to vector<16xi32>
      %add3A_149 = arith.addi %add3A_148, %shift_right_arithmetic3A_147 : vector<16xi32>
      %mul3A_150 = arith.constant 7 : i32
      %mul3A_151 = vector.broadcast %mul3A_150 : i32 to vector<16xi32>
      %mul3A_152 = arith.muli %convert_element_type3A_144, %mul3A_151 : vector<16xi32>
      %add3A_153 = arith.constant 0 : i32
      %add3A_154 = vector.broadcast %add3A_153 : i32 to vector<16xi32>
      %add3A_155 = arith.addi %mul3A_152, %add3A_154 : vector<16xi32>
      %shift_left3A_156 = arith.constant 5 : i32
      %shift_left3A_157 = vector.broadcast %shift_left3A_156 : i32 to vector<16xi32>
      %shift_left3A_158 = arith.shli %add3A_155, %shift_left3A_157 : vector<16xi32>
      %add3A_159 = arith.addi %shift_left3A_158, %add3A_149 : vector<16xi32>
      %swap3A_160 = arith.constant 16 : index
      %swap3A_161 = tpu.vector_load %arg6[%swap3A_160] {strides = array<i32>} : memref<112xi32, #tpu.memory_space<vmem>>, vector<16xi32>,
      %swap3A_162 = vector.shape_cast %swap3A_161 : vector<16xi32> to vector<16xi32>
      %swap3A_163 = vector.shape_cast %add3A_159 : vector<16xi32> to vector<16xi32>
      tpu.vector_store %arg6[%swap3A_160], %swap3A_163 {strides = array<i32>} : memref<112xi32, #tpu.memory_space<vmem>>, vector<16xi32>,
      %mul3A_164 = arith.constant 7 : i32
      %mul3A_165 = vector.broadcast %mul3A_164 : i32 to vector<16xi32>
      %mul3A_166 = arith.muli %convert_element_type3A_144, %mul3A_165 : vector<16xi32>
      %add3A_167 = arith.constant 1 : i32
      %add3A_168 = vector.broadcast %add3A_167 : i32 to vector<16xi32>
      %add3A_169 = arith.addi %mul3A_166, %add3A_168 : vector<16xi32>
      %shift_left3A_170 = arith.constant 5 : i32
      %shift_left3A_171 = vector.broadcast %shift_left3A_170 : i32 to vector<16xi32>
      %shift_left3A_172 = arith.shli %add3A_169, %shift_left3A_171 : vector<16xi32>
      %add3A_173 = arith.addi %shift_left3A_172, %add3A_149 : vector<16xi32>
      %swap3A_174 = arith.constant 48 : index
      %swap3A_175 = tpu.vector_load %arg6[%swap3A_174] {strides = array<i32>} : memref<112xi32, #tpu.memory_space<vmem>>, vector<16xi32>,
      %swap3A_176 = vector.shape_cast %swap3A_175 : vector<16xi32> to vector<16xi32>
      %swap3A_177 = vector.shape_cast %add3A_173 : vector<16xi32> to vector<16xi32>
      tpu.vector_store %arg6[%swap3A_174], %swap3A_177 {strides = array<i32>} : memref<112xi32, #tpu.memory_space<vmem>>, vector<16xi32>,
      %mul3A_178 = arith.constant 7 : i32
      %mul3A_179 = vector.broadcast %mul3A_178 : i32 to vector<16xi32>
      %mul3A_180 = arith.muli %convert_element_type3A_144, %mul3A_179 : vector<16xi32>
      %add3A_181 = arith.constant 2 : i32
      %add3A_182 = vector.broadcast %add3A_181 : i32 to vector<16xi32>
      %add3A_183 = arith.addi %mul3A_180, %add3A_182 : vector<16xi32>
      %shift_left3A_184 = arith.constant 5 : i32
      %shift_left3A_185 = vector.broadcast %shift_left3A_184 : i32 to vector<16xi32>
      %shift_left3A_186 = arith.shli %add3A_183, %shift_left3A_185 : vector<16xi32>
      %add3A_187 = arith.addi %shift_left3A_186, %add3A_149 : vector<16xi32>
      %swap3A_188 = arith.constant 80 : index
      %swap3A_189 = tpu.vector_load %arg6[%swap3A_188] {strides = array<i32>} : memref<112xi32, #tpu.memory_space<vmem>>, vector<16xi32>,
      %swap3A_190 = vector.shape_cast %swap3A_189 : vector<16xi32> to vector<16xi32>
      %swap3A_191 = vector.shape_cast %add3A_187 : vector<16xi32> to vector<16xi32>
      tpu.vector_store %arg6[%swap3A_188], %swap3A_191 {strides = array<i32>} : memref<112xi32, #tpu.memory_space<vmem>>, vector<16xi32>,
      %mul3A_192 = arith.constant 7 : i32
      %mul3A_193 = vector.broadcast %mul3A_192 : i32 to vector<16xi32>
      %mul3A_194 = arith.muli %convert_element_type3A_144, %mul3A_193 : vector<16xi32>
      %add3A_195 = arith.constant 3 : i32
      %add3A_196 = vector.broadcast %add3A_195 : i32 to vector<16xi32>
      %add3A_197 = arith.addi %mul3A_194, %add3A_196 : vector<16xi32>
      %shift_left3A_198 = arith.constant 5 : i32
      %shift_left3A_199 = vector.broadcast %shift_left3A_198 : i32 to vector<16xi32>
      %shift_left3A_200 = arith.shli %add3A_197, %shift_left3A_199 : vector<16xi32>
      %add3A_201 = arith.addi %shift_left3A_200, %add3A_149 : vector<16xi32>
      %swap3A_202 = arith.constant 0 : index
      %swap3A_203 = tpu.vector_load %arg7[%swap3A_202] {strides = array<i32>} : memref<112xi32, #tpu.memory_space<vmem>>, vector<16xi32>,
      %swap3A_204 = vector.shape_cast %swap3A_203 : vector<16xi32> to vector<16xi32>
      %swap3A_205 = vector.shape_cast %add3A_201 : vector<16xi32> to vector<16xi32>
      tpu.vector_store %arg7[%swap3A_202], %swap3A_205 {strides = array<i32>} : memref<112xi32, #tpu.memory_space<vmem>>, vector<16xi32>,
      %mul3A_206 = arith.constant 7 : i32
      %mul3A_207 = vector.broadcast %mul3A_206 : i32 to vector<16xi32>
      %mul3A_208 = arith.muli %convert_element_type3A_144, %mul3A_207 : vector<16xi32>
      %add3A_209 = arith.constant 4 : i32
      %add3A_210 = vector.broadcast %add3A_209 : i32 to vector<16xi32>
      %add3A_211 = arith.addi %mul3A_208, %add3A_210 : vector<16xi32>
      %shift_left3A_212 = arith.constant 5 : i32
      %shift_left3A_213 = vector.broadcast %shift_left3A_212 : i32 to vector<16xi32>
      %shift_left3A_214 = arith.shli %add3A_211, %shift_left3A_213 : vector<16xi32>
      %add3A_215 = arith.addi %shift_left3A_214, %add3A_149 : vector<16xi32>
      %swap3A_216 = arith.constant 32 : index
      %swap3A_217 = tpu.vector_load %arg7[%swap3A_216] {strides = array<i32>} : memref<112xi32, #tpu.memory_space<vmem>>, vector<16xi32>,
      %swap3A_218 = vector.shape_cast %swap3A_217 : vector<16xi32> to vector<16xi32>
      %swap3A_219 = vector.shape_cast %add3A_215 : vector<16xi32> to vector<16xi32>
      tpu.vector_store %arg7[%swap3A_216], %swap3A_219 {strides = array<i32>} : memref<112xi32, #tpu.memory_space<vmem>>, vector<16xi32>,
      %mul3A_220 = arith.constant 7 : i32
      %mul3A_221 = vector.broadcast %mul3A_220 : i32 to vector<16xi32>
      %mul3A_222 = arith.muli %convert_element_type3A_144, %mul3A_221 : vector<16xi32>
      %add3A_223 = arith.constant 5 : i32
      %add3A_224 = vector.broadcast %add3A_223 : i32 to vector<16xi32>
      %add3A_225 = arith.addi %mul3A_222, %add3A_224 : vector<16xi32>
      %shift_left3A_226 = arith.constant 5 : i32
      %shift_left3A_227 = vector.broadcast %shift_left3A_226 : i32 to vector<16xi32>
      %shift_left3A_228 = arith.shli %add3A_225, %shift_left3A_227 : vector<16xi32>
      %add3A_229 = arith.addi %shift_left3A_228, %add3A_149 : vector<16xi32>
      %swap3A_230 = arith.constant 64 : index
      %swap3A_231 = tpu.vector_load %arg7[%swap3A_230] {strides = array<i32>} : memref<112xi32, #tpu.memory_space<vmem>>, vector<16xi32>,
      %swap3A_232 = vector.shape_cast %swap3A_231 : vector<16xi32> to vector<16xi32>
      %swap3A_233 = vector.shape_cast %add3A_229 : vector<16xi32> to vector<16xi32>
      tpu.vector_store %arg7[%swap3A_230], %swap3A_233 {strides = array<i32>} : memref<112xi32, #tpu.memory_space<vmem>>, vector<16xi32>,
      %mul3A_234 = arith.constant 7 : i32
      %mul3A_235 = vector.broadcast %mul3A_234 : i32 to vector<16xi32>
      %mul3A_236 = arith.muli %convert_element_type3A_144, %mul3A_235 : vector<16xi32>
      %add3A_237 = arith.constant 6 : i32
      %add3A_238 = vector.broadcast %add3A_237 : i32 to vector<16xi32>
      %add3A_239 = arith.addi %mul3A_236, %add3A_238 : vector<16xi32>
      %shift_left3A_240 = arith.constant 5 : i32
      %shift_left3A_241 = vector.broadcast %shift_left3A_240 : i32 to vector<16xi32>
      %shift_left3A_242 = arith.shli %add3A_239, %shift_left3A_241 : vector<16xi32>
      %add3A_243 = arith.addi %shift_left3A_242, %add3A_149 : vector<16xi32>
      %swap3A_244 = arith.constant 96 : index
      %swap3A_245 = tpu.vector_load %arg7[%swap3A_244] {strides = array<i32>} : memref<112xi32, #tpu.memory_space<vmem>>, vector<16xi32>,
      %swap3A_246 = vector.shape_cast %swap3A_245 : vector<16xi32> to vector<16xi32>
      %swap3A_247 = vector.shape_cast %add3A_243 : vector<16xi32> to vector<16xi32>
      tpu.vector_store %arg7[%swap3A_244], %swap3A_247 {strides = array<i32>} : memref<112xi32, #tpu.memory_space<vmem>>, vector<16xi32>,
      %dma_start3A = arith.constant 0 : i32
      %dma_start3A_248 = arith.constant 0 : i32
      %dma_start3A_249 = tpu.memref_slice %arg2[%dma_start3A, %dma_start3A_248] : memref<229376x128xf32, #tpu.memory_space<hbm>> -> memref<229376x128xf32, #tpu.memory_space<hbm>>
      tpu.enqueue_indirect_dma source(%dma_start3A_249 : memref<229376x128xf32, #tpu.memory_space<hbm>>) target(%arg8 : memref<112x128xf32, #tpu.memory_space<vmem>>) offsets(%arg6 : memref<112xi32, #tpu.memory_space<vmem>>) semaphore(%arg10 : memref<!tpu.dma_semaphore, #tpu.memory_space<semaphore_mem>>)
      %dma_start3A_250 = arith.constant 0 : i32
      %dma_start3A_251 = arith.constant 0 : i32
      %dma_start3A_252 = tpu.memref_slice %arg2[%dma_start3A_250, %dma_start3A_251] : memref<229376x128xf32, #tpu.memory_space<hbm>> -> memref<229376x128xf32, #tpu.memory_space<hbm>>
      tpu.enqueue_indirect_dma source(%dma_start3A_252 : memref<229376x128xf32, #tpu.memory_space<hbm>>) target(%arg9 : memref<112x128xf32, #tpu.memory_space<vmem>>) offsets(%arg7 : memref<112xi32, #tpu.memory_space<vmem>>) semaphore(%arg10 : memref<!tpu.dma_semaphore, #tpu.memory_space<semaphore_mem>>)
      %dma_wait3A = arith.constant 0 : i32
      %dma_wait3A_253 = arith.constant 0 : i32
      %dma_wait3A_254 = tpu.memref_slice %arg2[%dma_wait3A, %dma_wait3A_253] : memref<229376x128xf32, #tpu.memory_space<hbm>> -> memref<229376x128xf32, #tpu.memory_space<hbm>>
      tpu.wait_indirect_dma semaphore(%arg10 : memref<!tpu.dma_semaphore, #tpu.memory_space<semaphore_mem>>) src(%dma_wait3A_254 : memref<229376x128xf32, #tpu.memory_space<hbm>>) dst(%arg8 : memref<112x128xf32, #tpu.memory_space<vmem>>)
      %dma_wait3A_255 = arith.constant 0 : i32
      %dma_wait3A_256 = arith.constant 0 : i32
      %dma_wait3A_257 = tpu.memref_slice %arg2[%dma_wait3A_255, %dma_wait3A_256] : memref<229376x128xf32, #tpu.memory_space<hbm>> -> memref<229376x128xf32, #tpu.memory_space<hbm>>
      tpu.wait_indirect_dma semaphore(%arg10 : memref<!tpu.dma_semaphore, #tpu.memory_space<semaphore_mem>>) src(%dma_wait3A_257 : memref<229376x128xf32, #tpu.memory_space<hbm>>) dst(%arg9 : memref<112x128xf32, #tpu.memory_space<vmem>>)
      "tpu.region"() ({
        %run_scoped3A = tpu.sem_alloc : memref<!tpu.dma_semaphore, #tpu.memory_space<semaphore_mem>>
        %dma_start3A_258 = arith.constant 0 : i32
        %dma_start3A_259 = arith.constant 0 : i32
        %dma_start3A_260 = tpu.memref_slice %arg4[%add3A, %dma_start3A_258, %dma_start3A_259] : memref<16x224x128xf32, #tpu.memory_space<hbm>> -> memref<1x112x128xf32, #tpu.memory_space<hbm>>
        %dma_start3A_261 = tpu.memref_squeeze %dma_start3A_260 : memref<1x112x128xf32, #tpu.memory_space<hbm>> -> memref<112x128xf32, #tpu.memory_space<hbm>>
        %dma_start3A_262 = arith.constant 0 : i32
        %dma_start3A_263 = arith.constant 0 : i32
        %dma_start3A_264 = tpu.memref_slice %arg4[%add3A, %dma_start3A_262, %dma_start3A_263] : memref<16x224x128xf32, #tpu.memory_space<hbm>> -> memref<1x112x128xf32, #tpu.memory_space<hbm>>
        %dma_start3A_265 = tpu.memref_squeeze %dma_start3A_264 : memref<1x112x128xf32, #tpu.memory_space<hbm>> -> memref<112x128xf32, #tpu.memory_space<hbm>>
        tpu.enqueue_dma source(%arg8 : memref<112x128xf32, #tpu.memory_space<vmem>>) target(%dma_start3A_265 : memref<112x128xf32, #tpu.memory_space<hbm>>) target_semaphore(%run_scoped3A : memref<!tpu.dma_semaphore, #tpu.memory_space<semaphore_mem>>)
        %dma_wait3A_266 = arith.constant 0 : i32
        %dma_wait3A_267 = arith.constant 0 : i32
        %dma_wait3A_268 = tpu.memref_slice %arg4[%add3A, %dma_wait3A_266, %dma_wait3A_267] : memref<16x224x128xf32, #tpu.memory_space<hbm>> -> memref<1x112x128xf32, #tpu.memory_space<hbm>>
        %dma_wait3A_269 = tpu.memref_squeeze %dma_wait3A_268 : memref<1x112x128xf32, #tpu.memory_space<hbm>> -> memref<112x128xf32, #tpu.memory_space<hbm>>
        %dma_wait3A_270 = arith.constant 0 : i32
        %dma_wait3A_271 = arith.constant 0 : i32
        %dma_wait3A_272 = tpu.memref_slice %arg4[%add3A, %dma_wait3A_270, %dma_wait3A_271] : memref<16x224x128xf32, #tpu.memory_space<hbm>> -> memref<1x112x128xf32, #tpu.memory_space<hbm>>
        %dma_wait3A_273 = tpu.memref_squeeze %dma_wait3A_272 : memref<1x112x128xf32, #tpu.memory_space<hbm>> -> memref<112x128xf32, #tpu.memory_space<hbm>>
        tpu.wait_dma2 semaphore(%run_scoped3A : memref<!tpu.dma_semaphore, #tpu.memory_space<semaphore_mem>>) src(%arg8 : memref<112x128xf32, #tpu.memory_space<vmem>>) dst(%dma_wait3A_273 : memref<112x128xf32, #tpu.memory_space<hbm>>)
        tpu.yield
      }) : () -> ()
      "tpu.region"() ({
        %run_scoped3A = tpu.sem_alloc : memref<!tpu.dma_semaphore, #tpu.memory_space<semaphore_mem>>
        %dma_start3A_258 = arith.constant 112 : i32
        %dma_start3A_259 = arith.constant 0 : i32
        %dma_start3A_260 = tpu.memref_slice %arg4[%add3A, %dma_start3A_258, %dma_start3A_259] : memref<16x224x128xf32, #tpu.memory_space<hbm>> -> memref<1x112x128xf32, #tpu.memory_space<hbm>>
        %dma_start3A_261 = tpu.memref_squeeze %dma_start3A_260 : memref<1x112x128xf32, #tpu.memory_space<hbm>> -> memref<112x128xf32, #tpu.memory_space<hbm>>
        %dma_start3A_262 = arith.constant 112 : i32
        %dma_start3A_263 = arith.constant 0 : i32
        %dma_start3A_264 = tpu.memref_slice %arg4[%add3A, %dma_start3A_262, %dma_start3A_263] : memref<16x224x128xf32, #tpu.memory_space<hbm>> -> memref<1x112x128xf32, #tpu.memory_space<hbm>>
        %dma_start3A_265 = tpu.memref_squeeze %dma_start3A_264 : memref<1x112x128xf32, #tpu.memory_space<hbm>> -> memref<112x128xf32, #tpu.memory_space<hbm>>
        tpu.enqueue_dma source(%arg9 : memref<112x128xf32, #tpu.memory_space<vmem>>) target(%dma_start3A_265 : memref<112x128xf32, #tpu.memory_space<hbm>>) target_semaphore(%run_scoped3A : memref<!tpu.dma_semaphore, #tpu.memory_space<semaphore_mem>>)
        %dma_wait3A_266 = arith.constant 112 : i32
        %dma_wait3A_267 = arith.constant 0 : i32
        %dma_wait3A_268 = tpu.memref_slice %arg4[%add3A, %dma_wait3A_266, %dma_wait3A_267] : memref<16x224x128xf32, #tpu.memory_space<hbm>> -> memref<1x112x128xf32, #tpu.memory_space<hbm>>
        %dma_wait3A_269 = tpu.memref_squeeze %dma_wait3A_268 : memref<1x112x128xf32, #tpu.memory_space<hbm>> -> memref<112x128xf32, #tpu.memory_space<hbm>>
        %dma_wait3A_270 = arith.constant 112 : i32
        %dma_wait3A_271 = arith.constant 0 : i32
        %dma_wait3A_272 = tpu.memref_slice %arg4[%add3A, %dma_wait3A_270, %dma_wait3A_271] : memref<16x224x128xf32, #tpu.memory_space<hbm>> -> memref<1x112x128xf32, #tpu.memory_space<hbm>>
        %dma_wait3A_273 = tpu.memref_squeeze %dma_wait3A_272 : memref<1x112x128xf32, #tpu.memory_space<hbm>> -> memref<112x128xf32, #tpu.memory_space<hbm>>
        tpu.wait_dma2 semaphore(%run_scoped3A : memref<!tpu.dma_semaphore, #tpu.memory_space<semaphore_mem>>) src(%arg9 : memref<112x128xf32, #tpu.memory_space<vmem>>) dst(%dma_wait3A_273 : memref<112x128xf32, #tpu.memory_space<hbm>>)
        tpu.yield
      }) : () -> ()
    } else {
    }
    return
  }
}

module attributes {stable_mosaic.version = 14 : i64} {
  func.func @_tc_body(%arg0: i32, %arg1: memref<1x64x1x32x128xf32, #tpu.memory_space<vmem>>, %arg2: memref<16x32x7xf32, #tpu.memory_space<vmem>>, %arg3: memref<16x224x128xf32, #tpu.memory_space<vmem>>, %arg4: memref<8x128xf32, #tpu.memory_space<vmem>>) attributes {dimension_semantics = [#tpu.dimension_semantics<arbitrary>], iteration_bounds = array<i64: 16>, scalar_prefetch = 0 : i64, scratch_operands = 0 : i64, tpu.core_type = #tpu.core_type<tc>, window_params = [{transform_indices = @transform_0, window_bounds = array<i64: 1, 64, 1, 32, 128>}, {pipeline_mode = #tpu.pipeline_mode<synchronous>, transform_indices = @transform_1, window_bounds = array<i64: 16, 32, 7>}, {pipeline_mode = #tpu.pipeline_mode<synchronous>, transform_indices = @transform_2, window_bounds = array<i64: 16, 224, 128>}, {pipeline_mode = #tpu.pipeline_mode<synchronous>, transform_indices = @transform_3, window_bounds = array<i64: 8, 128>}]} {
    %iota3A = tpu.iota {dimensions = array<i32: 0>} : vector<8x128xi32>
    %iota3A_0 = tpu.iota {dimensions = array<i32: 1>} : vector<8x128xi32>
    %eq3A = arith.constant 0 : i32
    %eq3A_1 = arith.cmpi eq, %arg0, %eq3A : i32
    %convert_element_type3A = arith.extui %eq3A_1 : i1 to i32
    %cond3A = arith.constant 0 : i32
    %cond3A_2 = arith.cmpi ne, %convert_element_type3A, %cond3A : i32
    scf.if %cond3A_2 {
      %get3A_38 = arith.constant 0 : index
      %get3A_39 = arith.constant 0 : index
      %get3A_40 = arith.constant 0 : index
      %get3A_41 = vector.load %arg2[%get3A_38, %get3A_39, %get3A_40] : memref<16x32x7xf32, #tpu.memory_space<vmem>>, vector<16x32x7xf32>
      %slice3A = vector.extract_strided_slice %get3A_41 {offsets = [0, 0, 0], sizes = [16, 32, 1], strides = [1, 1, 1]} : vector<16x32x7xf32> to vector<16x32x1xf32>
      %squeeze3A = vector.shape_cast %slice3A : vector<16x32x1xf32> to vector<16x32xf32>
      %add3A_42 = arith.constant 1.800000e+02 : f32
      %add3A_43 = vector.broadcast %add3A_42 : f32 to vector<16x32xf32>
      %add3A_44 = arith.addf %squeeze3A, %add3A_43 : vector<16x32xf32>
      %div3A = arith.constant 0.087890625 : f32
      %div3A_45 = vector.broadcast %div3A : f32 to vector<16x32xf32>
      %div3A_46 = arith.divf %add3A_44, %div3A_45 : vector<16x32xf32>
      %floor3A = math.floor %div3A_46 : vector<16x32xf32>
      %slice3A_47 = vector.extract_strided_slice %get3A_41 {offsets = [0, 0, 1], sizes = [16, 32, 1], strides = [1, 1, 1]} : vector<16x32x7xf32> to vector<16x32x1xf32>
      %squeeze3A_48 = vector.shape_cast %slice3A_47 : vector<16x32x1xf32> to vector<16x32xf32>
      %div3A_49 = arith.constant 1.562500e-02 : f32
      %div3A_50 = vector.broadcast %div3A_49 : f32 to vector<16x32xf32>
      %div3A_51 = arith.divf %squeeze3A_48, %div3A_50 : vector<16x32xf32>
      %floor3A_52 = math.floor %div3A_51 : vector<16x32xf32>
      %broadcast_in_dim3A_53 = vector.shape_cast %floor3A : vector<16x32xf32> to vector<16x32x1xf32>
      %broadcast_in_dim3A_54 = vector.shape_cast %floor3A : vector<16x32xf32> to vector<16x1x32xf32>
      %eq3A_55 = vector.broadcast %broadcast_in_dim3A_53 : vector<16x32x1xf32> to vector<16x32x32xf32>
      %eq3A_56 = vector.broadcast %broadcast_in_dim3A_54 : vector<16x1x32xf32> to vector<16x32x32xf32>
      %eq3A_57 = arith.cmpf oeq, %eq3A_55, %eq3A_56 : vector<16x32x32xf32>
      %broadcast_in_dim3A_58 = vector.shape_cast %floor3A_52 : vector<16x32xf32> to vector<16x32x1xf32>
      %broadcast_in_dim3A_59 = vector.shape_cast %floor3A_52 : vector<16x32xf32> to vector<16x1x32xf32>
      %eq3A_60 = vector.broadcast %broadcast_in_dim3A_58 : vector<16x32x1xf32> to vector<16x32x32xf32>
      %eq3A_61 = vector.broadcast %broadcast_in_dim3A_59 : vector<16x1x32xf32> to vector<16x32x32xf32>
      %eq3A_62 = arith.cmpf oeq, %eq3A_60, %eq3A_61 : vector<16x32x32xf32>
      %and3A_63 = arith.andi %eq3A_57, %eq3A_62 : vector<16x32x32xi1>
      %iota3A_64 = tpu.iota {dimensions = array<i32: 1>} : vector<16x32x32xi32>
      %iota3A_65 = tpu.iota {dimensions = array<i32: 2>} : vector<16x32x32xi32>
      %gt3A = arith.cmpi sgt, %iota3A_65, %iota3A_64 : vector<16x32x32xi32>
      %and3A_66 = arith.andi %and3A_63, %gt3A : vector<16x32x32xi1>
      %reduce_or3A = arith.constant 1.000000e+00 : f32
      %reduce_or3A_67 = arith.constant 0.000000e+00 : f32
      %reduce_or3A_68 = vector.broadcast %reduce_or3A : f32 to vector<16x32x32xf32>
      %reduce_or3A_69 = vector.broadcast %reduce_or3A_67 : f32 to vector<16x32x32xf32>
      %reduce_or3A_70 = arith.select %and3A_66, %reduce_or3A_68, %reduce_or3A_69 : vector<16x32x32xi1>, vector<16x32x32xf32>
      %reduce_or3A_71 = arith.constant dense<0xFF800000> : vector<16x32xf32>
      %reduce_or3A_72 = vector.multi_reduction <maximumf>, %reduce_or3A_70, %reduce_or3A_71 [2] : vector<16x32x32xf32> to vector<16x32xf32>
      %reduce_or3A_73 = arith.constant 0.000000e+00 : f32
      %reduce_or3A_74 = vector.broadcast %reduce_or3A_73 : f32 to vector<16x32xf32>
      %reduce_or3A_75 = arith.cmpf ogt, %reduce_or3A_72, %reduce_or3A_74 : vector<16x32xf32>
      %slice3A_76 = vector.extract_strided_slice %get3A_41 {offsets = [0, 0, 6], sizes = [16, 1, 1], strides = [1, 1, 1]} : vector<16x32x7xf32> to vector<16x1x1xf32>
      %squeeze3A_77 = vector.shape_cast %slice3A_76 : vector<16x1x1xf32> to vector<16xf32>
      %ge3A = arith.constant 0.000000e+00 : f32
      %ge3A_78 = vector.broadcast %ge3A : f32 to vector<16xf32>
      %ge3A_79 = arith.cmpf oge, %squeeze3A_77, %ge3A_78 : vector<16xf32>
      %not3A = arith.constant dense<true> : vector<16x32xi1>
      %not3A_80 = arith.xori %reduce_or3A_75, %not3A : vector<16x32xi1>
      %broadcast_in_dim3A_81 = vector.shape_cast %ge3A_79 : vector<16xi1> to vector<16x1xi1>
      %and3A_82 = vector.broadcast %broadcast_in_dim3A_81 : vector<16x1xi1> to vector<16x32xi1>
      %and3A_83 = arith.andi %not3A_80, %and3A_82 : vector<16x32xi1>
      %convert_element_type3A_84 = arith.extui %and3A_83 : vector<16x32xi1> to vector<16x32xi32>
      %convert_element_type3A_85 = arith.sitofp %convert_element_type3A_84 : vector<16x32xi32> to vector<16x32xf32>
      %get3A_86 = arith.constant 0 : index
      %get3A_87 = arith.constant 0 : index
      %get3A_88 = arith.constant 0 : index
      %get3A_89 = vector.load %arg3[%get3A_86, %get3A_87, %get3A_88] : memref<16x224x128xf32, #tpu.memory_space<vmem>>, vector<16x224x128xf32>
      %reshape3A = vector.shape_cast %get3A_89 : vector<16x224x128xf32> to vector<16x7x32x128xf32>
      %convert_element_type3A_90 = arith.fptosi %floor3A : vector<16x32xf32> to vector<16x32xi32>
      %and3A_91 = arith.constant 127 : i32
      %and3A_92 = vector.broadcast %and3A_91 : i32 to vector<16x32xi32>
      %and3A_93 = arith.andi %convert_element_type3A_90, %and3A_92 : vector<16x32xi32>
      %iota3A_94 = tpu.iota {dimensions = array<i32: 2>} : vector<16x32x128xi32>
      %broadcast_in_dim3A_95 = vector.shape_cast %and3A_93 : vector<16x32xi32> to vector<16x32x1xi32>
      %eq3A_96 = vector.broadcast %broadcast_in_dim3A_95 : vector<16x32x1xi32> to vector<16x32x128xi32>
      %eq3A_97 = arith.cmpi eq, %iota3A_94, %eq3A_96 : vector<16x32x128xi32>
      %slice3A_98 = vector.extract_strided_slice %reshape3A {offsets = [0, 0, 0, 0], sizes = [16, 1, 32, 128], strides = [1, 1, 1, 1]} : vector<16x7x32x128xf32> to vector<16x1x32x128xf32>
      %squeeze3A_99 = vector.shape_cast %slice3A_98 : vector<16x1x32x128xf32> to vector<16x32x128xf32>
      %jit3A_100 = arith.constant 0.000000e+00 : f32
      %broadcast_in_dim3A_101 = vector.broadcast %jit3A_100 : f32 to vector<16x32x128xf32>
      %select_n3A_102 = arith.select %eq3A_97, %squeeze3A_99, %broadcast_in_dim3A_101 : vector<16x32x128xi1>, vector<16x32x128xf32>
      %reduce_sum3A_103 = arith.constant dense<0.000000e+00> : vector<16x32xf32>
      %reduce_sum3A_104 = vector.multi_reduction <add>, %select_n3A_102, %reduce_sum3A_103 [2] : vector<16x32x128xf32> to vector<16x32xf32>
      %slice3A_105 = vector.extract_strided_slice %reshape3A {offsets = [0, 1, 0, 0], sizes = [16, 1, 32, 128], strides = [1, 1, 1, 1]} : vector<16x7x32x128xf32> to vector<16x1x32x128xf32>
      %squeeze3A_106 = vector.shape_cast %slice3A_105 : vector<16x1x32x128xf32> to vector<16x32x128xf32>
      %jit3A_107 = arith.constant 0.000000e+00 : f32
      %broadcast_in_dim3A_108 = vector.broadcast %jit3A_107 : f32 to vector<16x32x128xf32>
      %select_n3A_109 = arith.select %eq3A_97, %squeeze3A_106, %broadcast_in_dim3A_108 : vector<16x32x128xi1>, vector<16x32x128xf32>
      %reduce_sum3A_110 = arith.constant dense<0.000000e+00> : vector<16x32xf32>
      %reduce_sum3A_111 = vector.multi_reduction <add>, %select_n3A_109, %reduce_sum3A_110 [2] : vector<16x32x128xf32> to vector<16x32xf32>
      %slice3A_112 = vector.extract_strided_slice %reshape3A {offsets = [0, 2, 0, 0], sizes = [16, 1, 32, 128], strides = [1, 1, 1, 1]} : vector<16x7x32x128xf32> to vector<16x1x32x128xf32>
      %squeeze3A_113 = vector.shape_cast %slice3A_112 : vector<16x1x32x128xf32> to vector<16x32x128xf32>
      %jit3A_114 = arith.constant 0.000000e+00 : f32
      %broadcast_in_dim3A_115 = vector.broadcast %jit3A_114 : f32 to vector<16x32x128xf32>
      %select_n3A_116 = arith.select %eq3A_97, %squeeze3A_113, %broadcast_in_dim3A_115 : vector<16x32x128xi1>, vector<16x32x128xf32>
      %reduce_sum3A_117 = arith.constant dense<0.000000e+00> : vector<16x32xf32>
      %reduce_sum3A_118 = vector.multi_reduction <add>, %select_n3A_116, %reduce_sum3A_117 [2] : vector<16x32x128xf32> to vector<16x32xf32>
      %slice3A_119 = vector.extract_strided_slice %reshape3A {offsets = [0, 3, 0, 0], sizes = [16, 1, 32, 128], strides = [1, 1, 1, 1]} : vector<16x7x32x128xf32> to vector<16x1x32x128xf32>
      %squeeze3A_120 = vector.shape_cast %slice3A_119 : vector<16x1x32x128xf32> to vector<16x32x128xf32>
      %jit3A_121 = arith.constant 0.000000e+00 : f32
      %broadcast_in_dim3A_122 = vector.broadcast %jit3A_121 : f32 to vector<16x32x128xf32>
      %select_n3A_123 = arith.select %eq3A_97, %squeeze3A_120, %broadcast_in_dim3A_122 : vector<16x32x128xi1>, vector<16x32x128xf32>
      %reduce_sum3A_124 = arith.constant dense<0.000000e+00> : vector<16x32xf32>
      %reduce_sum3A_125 = vector.multi_reduction <add>, %select_n3A_123, %reduce_sum3A_124 [2] : vector<16x32x128xf32> to vector<16x32xf32>
      %slice3A_126 = vector.extract_strided_slice %reshape3A {offsets = [0, 4, 0, 0], sizes = [16, 1, 32, 128], strides = [1, 1, 1, 1]} : vector<16x7x32x128xf32> to vector<16x1x32x128xf32>
      %squeeze3A_127 = vector.shape_cast %slice3A_126 : vector<16x1x32x128xf32> to vector<16x32x128xf32>
      %jit3A_128 = arith.constant 0.000000e+00 : f32
      %broadcast_in_dim3A_129 = vector.broadcast %jit3A_128 : f32 to vector<16x32x128xf32>
      %select_n3A_130 = arith.select %eq3A_97, %squeeze3A_127, %broadcast_in_dim3A_129 : vector<16x32x128xi1>, vector<16x32x128xf32>
      %reduce_sum3A_131 = arith.constant dense<0.000000e+00> : vector<16x32xf32>
      %reduce_sum3A_132 = vector.multi_reduction <add>, %select_n3A_130, %reduce_sum3A_131 [2] : vector<16x32x128xf32> to vector<16x32xf32>
      %slice3A_133 = vector.extract_strided_slice %reshape3A {offsets = [0, 5, 0, 0], sizes = [16, 1, 32, 128], strides = [1, 1, 1, 1]} : vector<16x7x32x128xf32> to vector<16x1x32x128xf32>
      %squeeze3A_134 = vector.shape_cast %slice3A_133 : vector<16x1x32x128xf32> to vector<16x32x128xf32>
      %jit3A_135 = arith.constant 0.000000e+00 : f32
      %broadcast_in_dim3A_136 = vector.broadcast %jit3A_135 : f32 to vector<16x32x128xf32>
      %select_n3A_137 = arith.select %eq3A_97, %squeeze3A_134, %broadcast_in_dim3A_136 : vector<16x32x128xi1>, vector<16x32x128xf32>
      %reduce_sum3A_138 = arith.constant dense<0.000000e+00> : vector<16x32xf32>
      %reduce_sum3A_139 = vector.multi_reduction <add>, %select_n3A_137, %reduce_sum3A_138 [2] : vector<16x32x128xf32> to vector<16x32xf32>
      %slice3A_140 = vector.extract_strided_slice %reshape3A {offsets = [0, 6, 0, 0], sizes = [16, 1, 32, 128], strides = [1, 1, 1, 1]} : vector<16x7x32x128xf32> to vector<16x1x32x128xf32>
      %squeeze3A_141 = vector.shape_cast %slice3A_140 : vector<16x1x32x128xf32> to vector<16x32x128xf32>
      %jit3A_142 = arith.constant 0.000000e+00 : f32
      %broadcast_in_dim3A_143 = vector.broadcast %jit3A_142 : f32 to vector<16x32x128xf32>
      %select_n3A_144 = arith.select %eq3A_97, %squeeze3A_141, %broadcast_in_dim3A_143 : vector<16x32x128xi1>, vector<16x32x128xf32>
      %reduce_sum3A_145 = arith.constant dense<0.000000e+00> : vector<16x32xf32>
      %reduce_sum3A_146 = vector.multi_reduction <add>, %select_n3A_144, %reduce_sum3A_145 [2] : vector<16x32x128xf32> to vector<16x32xf32>
      %div3A_147 = arith.constant 0.087890625 : f32
      %div3A_148 = vector.broadcast %div3A_147 : f32 to vector<16x32xf32>
      %div3A_149 = arith.divf %add3A_44, %div3A_148 : vector<16x32xf32>
      %sub3A = arith.subf %div3A_149, %floor3A : vector<16x32xf32>
      %slice3A_150 = vector.extract_strided_slice %get3A_41 {offsets = [0, 0, 1], sizes = [16, 32, 1], strides = [1, 1, 1]} : vector<16x32x7xf32> to vector<16x32x1xf32>
      %squeeze3A_151 = vector.shape_cast %slice3A_150 : vector<16x32x1xf32> to vector<16x32xf32>
      %div3A_152 = arith.constant 1.562500e-02 : f32
      %div3A_153 = vector.broadcast %div3A_152 : f32 to vector<16x32xf32>
      %div3A_154 = arith.divf %squeeze3A_151, %div3A_153 : vector<16x32xf32>
      %sub3A_155 = arith.subf %div3A_154, %floor3A_52 : vector<16x32xf32>
      %slice3A_156 = vector.extract_strided_slice %get3A_41 {offsets = [0, 0, 2], sizes = [16, 32, 1], strides = [1, 1, 1]} : vector<16x32x7xf32> to vector<16x32x1xf32>
      %squeeze3A_157 = vector.shape_cast %slice3A_156 : vector<16x32x1xf32> to vector<16x32xf32>
      %div3A_158 = arith.constant 3.900000e+00 : f32
      %div3A_159 = vector.broadcast %div3A_158 : f32 to vector<16x32xf32>
      %div3A_160 = arith.divf %squeeze3A_157, %div3A_159 : vector<16x32xf32>
      %add3A_161 = arith.constant 1.000000e-16 : f32
      %add3A_162 = vector.broadcast %add3A_161 : f32 to vector<16x32xf32>
      %add3A_163 = arith.addf %div3A_160, %add3A_162 : vector<16x32xf32>
      %log3A_164 = math.log %add3A_163 : vector<16x32xf32>
      %slice3A_165 = vector.extract_strided_slice %get3A_41 {offsets = [0, 0, 3], sizes = [16, 32, 1], strides = [1, 1, 1]} : vector<16x32x7xf32> to vector<16x32x1xf32>
      %squeeze3A_166 = vector.shape_cast %slice3A_165 : vector<16x32x1xf32> to vector<16x32xf32>
      %div3A_167 = arith.constant 1.600000e+00 : f32
      %div3A_168 = vector.broadcast %div3A_167 : f32 to vector<16x32xf32>
      %div3A_169 = arith.divf %squeeze3A_166, %div3A_168 : vector<16x32xf32>
      %add3A_170 = arith.constant 1.000000e-16 : f32
      %add3A_171 = vector.broadcast %add3A_170 : f32 to vector<16x32xf32>
      %add3A_172 = arith.addf %div3A_169, %add3A_171 : vector<16x32xf32>
      %log3A_173 = math.log %add3A_172 : vector<16x32xf32>
      %logistic3A = arith.negf %reduce_sum3A_104 : vector<16x32xf32>
      %logistic3A_174 = math.exp %logistic3A : vector<16x32xf32>
      %logistic3A_175 = arith.constant 1.000000e+00 : f32
      %logistic3A_176 = vector.broadcast %logistic3A_175 : f32 to vector<16x32xf32>
      %logistic3A_177 = arith.addf %logistic3A_176, %logistic3A_174 : vector<16x32xf32>
      %logistic3A_178 = arith.divf %logistic3A_176, %logistic3A_177 : vector<16x32xf32>
      %logistic3A_179 = arith.negf %reduce_sum3A_111 : vector<16x32xf32>
      %logistic3A_180 = math.exp %logistic3A_179 : vector<16x32xf32>
      %logistic3A_181 = arith.constant 1.000000e+00 : f32
      %logistic3A_182 = vector.broadcast %logistic3A_181 : f32 to vector<16x32xf32>
      %logistic3A_183 = arith.addf %logistic3A_182, %logistic3A_180 : vector<16x32xf32>
      %logistic3A_184 = arith.divf %logistic3A_182, %logistic3A_183 : vector<16x32xf32>
      %sub3A_185 = arith.subf %logistic3A_178, %sub3A : vector<16x32xf32>
      %integer_pow3A = arith.mulf %sub3A_185, %sub3A_185 : vector<16x32xf32>
      %sub3A_186 = arith.subf %logistic3A_184, %sub3A_155 : vector<16x32xf32>
      %integer_pow3A_187 = arith.mulf %sub3A_186, %sub3A_186 : vector<16x32xf32>
      %add3A_188 = arith.addf %integer_pow3A, %integer_pow3A_187 : vector<16x32xf32>
      %mul3A = arith.mulf %convert_element_type3A_85, %add3A_188 : vector<16x32xf32>
      %reduce_sum3A_189 = vector.shape_cast %mul3A : vector<16x32xf32> to vector<1x16x32xf32>
      %reduce_sum3A_190 = arith.constant dense<0.000000e+00> : vector<1xf32>
      %reduce_sum3A_191 = vector.multi_reduction <add>, %reduce_sum3A_189, %reduce_sum3A_190 [1, 2] : vector<1x16x32xf32> to vector<1xf32>
      %reduce_sum3A_192 = vector.shape_cast %reduce_sum3A_191 : vector<1xf32> to vector<1x1x1xf32>
      %reduce_sum3A_193 = vector.extract %reduce_sum3A_192[0, 0, 0] : f32 from vector<1x1x1xf32>
      %sub3A_194 = arith.subf %reduce_sum3A_118, %log3A_164 : vector<16x32xf32>
      %integer_pow3A_195 = arith.mulf %sub3A_194, %sub3A_194 : vector<16x32xf32>
      %sub3A_196 = arith.subf %reduce_sum3A_125, %log3A_173 : vector<16x32xf32>
      %integer_pow3A_197 = arith.mulf %sub3A_196, %sub3A_196 : vector<16x32xf32>
      %add3A_198 = arith.addf %integer_pow3A_195, %integer_pow3A_197 : vector<16x32xf32>
      %mul3A_199 = arith.mulf %convert_element_type3A_85, %add3A_198 : vector<16x32xf32>
      %reduce_sum3A_200 = vector.shape_cast %mul3A_199 : vector<16x32xf32> to vector<1x16x32xf32>
      %reduce_sum3A_201 = arith.constant dense<0.000000e+00> : vector<1xf32>
      %reduce_sum3A_202 = vector.multi_reduction <add>, %reduce_sum3A_200, %reduce_sum3A_201 [1, 2] : vector<1x16x32xf32> to vector<1xf32>
      %reduce_sum3A_203 = vector.shape_cast %reduce_sum3A_202 : vector<1xf32> to vector<1x1x1xf32>
      %reduce_sum3A_204 = vector.extract %reduce_sum3A_203[0, 0, 0] : f32 from vector<1x1x1xf32>
      %tanh3A = math.tanh %reduce_sum3A_132 : vector<16x32xf32>
      %slice3A_205 = vector.extract_strided_slice %get3A_41 {offsets = [0, 0, 4], sizes = [16, 32, 1], strides = [1, 1, 1]} : vector<16x32x7xf32> to vector<16x32x1xf32>
      %squeeze3A_206 = vector.shape_cast %slice3A_205 : vector<16x32x1xf32> to vector<16x32xf32>
      %sub3A_207 = arith.subf %tanh3A, %squeeze3A_206 : vector<16x32xf32>
      %integer_pow3A_208 = arith.mulf %sub3A_207, %sub3A_207 : vector<16x32xf32>
      %tanh3A_209 = math.tanh %reduce_sum3A_139 : vector<16x32xf32>
      %slice3A_210 = vector.extract_strided_slice %get3A_41 {offsets = [0, 0, 5], sizes = [16, 32, 1], strides = [1, 1, 1]} : vector<16x32x7xf32> to vector<16x32x1xf32>
      %squeeze3A_211 = vector.shape_cast %slice3A_210 : vector<16x32x1xf32> to vector<16x32xf32>
      %sub3A_212 = arith.subf %tanh3A_209, %squeeze3A_211 : vector<16x32xf32>
      %integer_pow3A_213 = arith.mulf %sub3A_212, %sub3A_212 : vector<16x32xf32>
      %add3A_214 = arith.addf %integer_pow3A_208, %integer_pow3A_213 : vector<16x32xf32>
      %mul3A_215 = arith.mulf %convert_element_type3A_85, %add3A_214 : vector<16x32xf32>
      %reduce_sum3A_216 = vector.shape_cast %mul3A_215 : vector<16x32xf32> to vector<1x16x32xf32>
      %reduce_sum3A_217 = arith.constant dense<0.000000e+00> : vector<1xf32>
      %reduce_sum3A_218 = vector.multi_reduction <add>, %reduce_sum3A_216, %reduce_sum3A_217 [1, 2] : vector<1x16x32xf32> to vector<1xf32>
      %reduce_sum3A_219 = vector.shape_cast %reduce_sum3A_218 : vector<1xf32> to vector<1x1x1xf32>
      %reduce_sum3A_220 = vector.extract %reduce_sum3A_219[0, 0, 0] : f32 from vector<1x1x1xf32>
      %logistic3A_221 = arith.negf %reduce_sum3A_146 : vector<16x32xf32>
      %logistic3A_222 = math.exp %logistic3A_221 : vector<16x32xf32>
      %logistic3A_223 = arith.constant 1.000000e+00 : f32
      %logistic3A_224 = vector.broadcast %logistic3A_223 : f32 to vector<16x32xf32>
      %logistic3A_225 = arith.addf %logistic3A_224, %logistic3A_222 : vector<16x32xf32>
      %logistic3A_226 = arith.divf %logistic3A_224, %logistic3A_225 : vector<16x32xf32>
      %log3A_227 = math.log %logistic3A_226 : vector<16x32xf32>
      %max3A_228 = arith.constant -1.000000e+02 : f32
      %max3A_229 = vector.broadcast %max3A_228 : f32 to vector<16x32xf32>
      %max3A_230 = arith.maximumf %log3A_227, %max3A_229 : vector<16x32xf32>
      %neg3A_231 = arith.constant 0.000000e+00 : f32
      %neg3A_232 = vector.broadcast %neg3A_231 : f32 to vector<16x32xf32>
      %neg3A_233 = arith.subf %neg3A_232, %max3A_230 : vector<16x32xf32>
      %mul3A_234 = arith.mulf %convert_element_type3A_85, %neg3A_233 : vector<16x32xf32>
      %reduce_sum3A_235 = vector.shape_cast %mul3A_234 : vector<16x32xf32> to vector<1x16x32xf32>
      %reduce_sum3A_236 = arith.constant dense<0.000000e+00> : vector<1xf32>
      %reduce_sum3A_237 = vector.multi_reduction <add>, %reduce_sum3A_235, %reduce_sum3A_236 [1, 2] : vector<1x16x32xf32> to vector<1xf32>
      %reduce_sum3A_238 = vector.shape_cast %reduce_sum3A_237 : vector<1xf32> to vector<1x1x1xf32>
      %reduce_sum3A_239 = vector.extract %reduce_sum3A_238[0, 0, 0] : f32 from vector<1x1x1xf32>
      %max3A_240 = arith.constant 0.000000e+00 : f32
      %max3A_241 = vector.broadcast %max3A_240 : f32 to vector<16x32xf32>
      %max3A_242 = arith.maximumf %reduce_sum3A_146, %max3A_241 : vector<16x32xf32>
      %abs3A_243 = math.absf %reduce_sum3A_146 : vector<16x32xf32>
      %neg3A_244 = arith.constant 0.000000e+00 : f32
      %neg3A_245 = vector.broadcast %neg3A_244 : f32 to vector<16x32xf32>
      %neg3A_246 = arith.subf %neg3A_245, %abs3A_243 : vector<16x32xf32>
      %exp3A_247 = math.exp %neg3A_246 : vector<16x32xf32>
      %add3A_248 = arith.constant 1.000000e+00 : f32
      %add3A_249 = vector.broadcast %add3A_248 : f32 to vector<16x32xf32>
      %add3A_250 = arith.addf %add3A_249, %exp3A_247 : vector<16x32xf32>
      %log3A_251 = math.log %add3A_250 : vector<16x32xf32>
      %add3A_252 = arith.addf %max3A_242, %log3A_251 : vector<16x32xf32>
      %mul3A_253 = arith.mulf %convert_element_type3A_85, %add3A_252 : vector<16x32xf32>
      %reduce_sum3A_254 = vector.shape_cast %mul3A_253 : vector<16x32xf32> to vector<1x16x32xf32>
      %reduce_sum3A_255 = arith.constant dense<0.000000e+00> : vector<1xf32>
      %reduce_sum3A_256 = vector.multi_reduction <add>, %reduce_sum3A_254, %reduce_sum3A_255 [1, 2] : vector<1x16x32xf32> to vector<1xf32>
      %reduce_sum3A_257 = vector.shape_cast %reduce_sum3A_256 : vector<1xf32> to vector<1x1x1xf32>
      %reduce_sum3A_258 = vector.extract %reduce_sum3A_257[0, 0, 0] : f32 from vector<1x1x1xf32>
      %eq3A_259 = arith.constant 0 : i32
      %eq3A_260 = vector.broadcast %eq3A_259 : i32 to vector<8x128xi32>
      %eq3A_261 = arith.cmpi eq, %iota3A, %eq3A_260 : vector<8x128xi32>
      %eq3A_262 = arith.constant 1 : i32
      %eq3A_263 = vector.broadcast %eq3A_262 : i32 to vector<8x128xi32>
      %eq3A_264 = arith.cmpi eq, %iota3A_0, %eq3A_263 : vector<8x128xi32>
      %and3A_265 = arith.andi %eq3A_261, %eq3A_264 : vector<8x128xi1>
      %jit3A_266 = arith.constant 0.000000e+00 : f32
      %broadcast_in_dim3A_267 = vector.broadcast %reduce_sum3A_193 : f32 to vector<8x128xf32>
      %broadcast_in_dim3A_268 = vector.broadcast %jit3A_266 : f32 to vector<8x128xf32>
      %select_n3A_269 = arith.select %and3A_265, %broadcast_in_dim3A_267, %broadcast_in_dim3A_268 : vector<8x128xi1>, vector<8x128xf32>
      %eq3A_270 = arith.constant 0 : i32
      %eq3A_271 = vector.broadcast %eq3A_270 : i32 to vector<8x128xi32>
      %eq3A_272 = arith.cmpi eq, %iota3A, %eq3A_271 : vector<8x128xi32>
      %eq3A_273 = arith.constant 2 : i32
      %eq3A_274 = vector.broadcast %eq3A_273 : i32 to vector<8x128xi32>
      %eq3A_275 = arith.cmpi eq, %iota3A_0, %eq3A_274 : vector<8x128xi32>
      %and3A_276 = arith.andi %eq3A_272, %eq3A_275 : vector<8x128xi1>
      %jit3A_277 = arith.constant 0.000000e+00 : f32
      %broadcast_in_dim3A_278 = vector.broadcast %reduce_sum3A_204 : f32 to vector<8x128xf32>
      %broadcast_in_dim3A_279 = vector.broadcast %jit3A_277 : f32 to vector<8x128xf32>
      %select_n3A_280 = arith.select %and3A_276, %broadcast_in_dim3A_278, %broadcast_in_dim3A_279 : vector<8x128xi1>, vector<8x128xf32>
      %add3A_281 = arith.addf %select_n3A_269, %select_n3A_280 : vector<8x128xf32>
      %eq3A_282 = arith.constant 0 : i32
      %eq3A_283 = vector.broadcast %eq3A_282 : i32 to vector<8x128xi32>
      %eq3A_284 = arith.cmpi eq, %iota3A, %eq3A_283 : vector<8x128xi32>
      %eq3A_285 = arith.constant 3 : i32
      %eq3A_286 = vector.broadcast %eq3A_285 : i32 to vector<8x128xi32>
      %eq3A_287 = arith.cmpi eq, %iota3A_0, %eq3A_286 : vector<8x128xi32>
      %and3A_288 = arith.andi %eq3A_284, %eq3A_287 : vector<8x128xi1>
      %jit3A_289 = arith.constant 0.000000e+00 : f32
      %broadcast_in_dim3A_290 = vector.broadcast %reduce_sum3A_220 : f32 to vector<8x128xf32>
      %broadcast_in_dim3A_291 = vector.broadcast %jit3A_289 : f32 to vector<8x128xf32>
      %select_n3A_292 = arith.select %and3A_288, %broadcast_in_dim3A_290, %broadcast_in_dim3A_291 : vector<8x128xi1>, vector<8x128xf32>
      %add3A_293 = arith.addf %add3A_281, %select_n3A_292 : vector<8x128xf32>
      %eq3A_294 = arith.constant 0 : i32
      %eq3A_295 = vector.broadcast %eq3A_294 : i32 to vector<8x128xi32>
      %eq3A_296 = arith.cmpi eq, %iota3A, %eq3A_295 : vector<8x128xi32>
      %eq3A_297 = arith.constant 4 : i32
      %eq3A_298 = vector.broadcast %eq3A_297 : i32 to vector<8x128xi32>
      %eq3A_299 = arith.cmpi eq, %iota3A_0, %eq3A_298 : vector<8x128xi32>
      %and3A_300 = arith.andi %eq3A_296, %eq3A_299 : vector<8x128xi1>
      %jit3A_301 = arith.constant 0.000000e+00 : f32
      %broadcast_in_dim3A_302 = vector.broadcast %reduce_sum3A_239 : f32 to vector<8x128xf32>
      %broadcast_in_dim3A_303 = vector.broadcast %jit3A_301 : f32 to vector<8x128xf32>
      %select_n3A_304 = arith.select %and3A_300, %broadcast_in_dim3A_302, %broadcast_in_dim3A_303 : vector<8x128xi1>, vector<8x128xf32>
      %add3A_305 = arith.addf %add3A_293, %select_n3A_304 : vector<8x128xf32>
      %neg3A_306 = arith.constant 0.000000e+00 : f32
      %neg3A_307 = arith.subf %neg3A_306, %reduce_sum3A_258 : f32
      %eq3A_308 = arith.constant 0 : i32
      %eq3A_309 = vector.broadcast %eq3A_308 : i32 to vector<8x128xi32>
      %eq3A_310 = arith.cmpi eq, %iota3A, %eq3A_309 : vector<8x128xi32>
      %eq3A_311 = arith.constant 5 : i32
      %eq3A_312 = vector.broadcast %eq3A_311 : i32 to vector<8x128xi32>
      %eq3A_313 = arith.cmpi eq, %iota3A_0, %eq3A_312 : vector<8x128xi32>
      %and3A_314 = arith.andi %eq3A_310, %eq3A_313 : vector<8x128xi1>
      %jit3A_315 = arith.constant 0.000000e+00 : f32
      %broadcast_in_dim3A_316 = vector.broadcast %neg3A_307 : f32 to vector<8x128xf32>
      %broadcast_in_dim3A_317 = vector.broadcast %jit3A_315 : f32 to vector<8x128xf32>
      %select_n3A_318 = arith.select %and3A_314, %broadcast_in_dim3A_316, %broadcast_in_dim3A_317 : vector<8x128xi1>, vector<8x128xf32>
      %add3A_319 = arith.addf %add3A_305, %select_n3A_318 : vector<8x128xf32>
      %swap3A_320 = arith.constant 0 : index
      %swap3A_321 = arith.constant 0 : index
      %swap3A_322 = vector.load %arg4[%swap3A_320, %swap3A_321] : memref<8x128xf32, #tpu.memory_space<vmem>>, vector<8x128xf32>
      tpu.vector_store %arg4[%swap3A_320, %swap3A_321], %add3A_319 {strides = array<i32>} : memref<8x128xf32, #tpu.memory_space<vmem>>, vector<8x128xf32>,
    } else {
    }
    %get3A = arith.constant 0 : index
    %get3A_3 = arith.constant 0 : index
    %get3A_4 = arith.constant 0 : index
    %get3A_5 = arith.constant 0 : index
    %get3A_6 = arith.constant 0 : index
    %get3A_7 = vector.load %arg1[%get3A, %get3A_3, %get3A_4, %get3A_5, %get3A_6] : memref<1x64x1x32x128xf32, #tpu.memory_space<vmem>>, vector<1x64x1x32x128xf32>
    %get3A_8 = vector.shape_cast %get3A_7 : vector<1x64x1x32x128xf32> to vector<64x32x128xf32>
    %max3A = arith.constant 0.000000e+00 : f32
    %max3A_9 = vector.broadcast %max3A : f32 to vector<64x32x128xf32>
    %max3A_10 = arith.maximumf %get3A_8, %max3A_9 : vector<64x32x128xf32>
    %abs3A = math.absf %get3A_8 : vector<64x32x128xf32>
    %neg3A = arith.constant 0.000000e+00 : f32
    %neg3A_11 = vector.broadcast %neg3A : f32 to vector<64x32x128xf32>
    %neg3A_12 = arith.subf %neg3A_11, %abs3A : vector<64x32x128xf32>
    %exp3A = math.exp %neg3A_12 : vector<64x32x128xf32>
    %add3A = arith.constant 1.000000e+00 : f32
    %add3A_13 = vector.broadcast %add3A : f32 to vector<64x32x128xf32>
    %add3A_14 = arith.addf %add3A_13, %exp3A : vector<64x32x128xf32>
    %log3A = math.log %add3A_14 : vector<64x32x128xf32>
    %add3A_15 = arith.addf %max3A_10, %log3A : vector<64x32x128xf32>
    %reduce_sum3A = vector.shape_cast %add3A_15 : vector<64x32x128xf32> to vector<1x64x32x128xf32>
    %reduce_sum3A_16 = arith.constant dense<0.000000e+00> : vector<1xf32>
    %reduce_sum3A_17 = vector.multi_reduction <add>, %reduce_sum3A, %reduce_sum3A_16 [1, 2, 3] : vector<1x64x32x128xf32> to vector<1xf32>
    %reduce_sum3A_18 = vector.shape_cast %reduce_sum3A_17 : vector<1xf32> to vector<1x1x1x1xf32>
    %reduce_sum3A_19 = vector.extract %reduce_sum3A_18[0, 0, 0, 0] : f32 from vector<1x1x1x1xf32>
    %get3A_20 = arith.constant 0 : index
    %get3A_21 = arith.constant 0 : index
    %get3A_22 = vector.load %arg4[%get3A_20, %get3A_21] : memref<8x128xf32, #tpu.memory_space<vmem>>, vector<8x128xf32>
    %eq3A_23 = arith.constant 0 : i32
    %eq3A_24 = vector.broadcast %eq3A_23 : i32 to vector<8x128xi32>
    %eq3A_25 = arith.cmpi eq, %iota3A, %eq3A_24 : vector<8x128xi32>
    %eq3A_26 = arith.constant 5 : i32
    %eq3A_27 = vector.broadcast %eq3A_26 : i32 to vector<8x128xi32>
    %eq3A_28 = arith.cmpi eq, %iota3A_0, %eq3A_27 : vector<8x128xi32>
    %and3A = arith.andi %eq3A_25, %eq3A_28 : vector<8x128xi1>
    %jit3A = arith.constant 0.000000e+00 : f32
    %broadcast_in_dim3A = vector.broadcast %reduce_sum3A_19 : f32 to vector<8x128xf32>
    %broadcast_in_dim3A_29 = vector.broadcast %jit3A : f32 to vector<8x128xf32>
    %select_n3A = arith.select %and3A, %broadcast_in_dim3A, %broadcast_in_dim3A_29 : vector<8x128xi1>, vector<8x128xf32>
    %add3A_30 = arith.addf %get3A_22, %select_n3A : vector<8x128xf32>
    %swap3A = arith.constant 0 : index
    %swap3A_31 = arith.constant 0 : index
    %swap3A_32 = vector.load %arg4[%swap3A, %swap3A_31] : memref<8x128xf32, #tpu.memory_space<vmem>>, vector<8x128xf32>
    tpu.vector_store %arg4[%swap3A, %swap3A_31], %add3A_30 {strides = array<i32>} : memref<8x128xf32, #tpu.memory_space<vmem>>, vector<8x128xf32>,
    %eq3A_33 = arith.constant 15 : i32
    %eq3A_34 = arith.cmpi eq, %arg0, %eq3A_33 : i32
    %convert_element_type3A_35 = arith.extui %eq3A_34 : i1 to i32
    %cond3A_36 = arith.constant 0 : i32
    %cond3A_37 = arith.cmpi ne, %convert_element_type3A_35, %cond3A_36 : i32
    scf.if %cond3A_37 {
      %get3A_38 = arith.constant 0 : index
      %get3A_39 = arith.constant 0 : index
      %get3A_40 = vector.load %arg4[%get3A_38, %get3A_39] : memref<8x128xf32, #tpu.memory_space<vmem>>, vector<8x128xf32>
      %eq3A_41 = arith.constant 0 : i32
      %eq3A_42 = vector.broadcast %eq3A_41 : i32 to vector<8x128xi32>
      %eq3A_43 = arith.cmpi eq, %iota3A, %eq3A_42 : vector<8x128xi32>
      %eq3A_44 = arith.constant 1 : i32
      %eq3A_45 = vector.broadcast %eq3A_44 : i32 to vector<8x128xi32>
      %eq3A_46 = arith.cmpi eq, %iota3A_0, %eq3A_45 : vector<8x128xi32>
      %and3A_47 = arith.andi %eq3A_43, %eq3A_46 : vector<8x128xi1>
      %jit3A_48 = arith.constant 1.000000e+01 : f32
      %jit3A_49 = arith.constant 0.000000e+00 : f32
      %broadcast_in_dim3A_50 = vector.broadcast %jit3A_48 : f32 to vector<8x128xf32>
      %broadcast_in_dim3A_51 = vector.broadcast %jit3A_49 : f32 to vector<8x128xf32>
      %select_n3A_52 = arith.select %and3A_47, %broadcast_in_dim3A_50, %broadcast_in_dim3A_51 : vector<8x128xi1>, vector<8x128xf32>
      %eq3A_53 = arith.constant 0 : i32
      %eq3A_54 = vector.broadcast %eq3A_53 : i32 to vector<8x128xi32>
      %eq3A_55 = arith.cmpi eq, %iota3A, %eq3A_54 : vector<8x128xi32>
      %eq3A_56 = arith.constant 2 : i32
      %eq3A_57 = vector.broadcast %eq3A_56 : i32 to vector<8x128xi32>
      %eq3A_58 = arith.cmpi eq, %iota3A_0, %eq3A_57 : vector<8x128xi32>
      %and3A_59 = arith.andi %eq3A_55, %eq3A_58 : vector<8x128xi1>
      %jit3A_60 = arith.constant 1.000000e+01 : f32
      %jit3A_61 = arith.constant 0.000000e+00 : f32
      %broadcast_in_dim3A_62 = vector.broadcast %jit3A_60 : f32 to vector<8x128xf32>
      %broadcast_in_dim3A_63 = vector.broadcast %jit3A_61 : f32 to vector<8x128xf32>
      %select_n3A_64 = arith.select %and3A_59, %broadcast_in_dim3A_62, %broadcast_in_dim3A_63 : vector<8x128xi1>, vector<8x128xf32>
      %add3A_65 = arith.addf %select_n3A_52, %select_n3A_64 : vector<8x128xf32>
      %eq3A_66 = arith.constant 0 : i32
      %eq3A_67 = vector.broadcast %eq3A_66 : i32 to vector<8x128xi32>
      %eq3A_68 = arith.cmpi eq, %iota3A, %eq3A_67 : vector<8x128xi32>
      %eq3A_69 = arith.constant 3 : i32
      %eq3A_70 = vector.broadcast %eq3A_69 : i32 to vector<8x128xi32>
      %eq3A_71 = arith.cmpi eq, %iota3A_0, %eq3A_70 : vector<8x128xi32>
      %and3A_72 = arith.andi %eq3A_68, %eq3A_71 : vector<8x128xi1>
      %jit3A_73 = arith.constant 2.000000e+01 : f32
      %jit3A_74 = arith.constant 0.000000e+00 : f32
      %broadcast_in_dim3A_75 = vector.broadcast %jit3A_73 : f32 to vector<8x128xf32>
      %broadcast_in_dim3A_76 = vector.broadcast %jit3A_74 : f32 to vector<8x128xf32>
      %select_n3A_77 = arith.select %and3A_72, %broadcast_in_dim3A_75, %broadcast_in_dim3A_76 : vector<8x128xi1>, vector<8x128xf32>
      %add3A_78 = arith.addf %add3A_65, %select_n3A_77 : vector<8x128xf32>
      %eq3A_79 = arith.constant 0 : i32
      %eq3A_80 = vector.broadcast %eq3A_79 : i32 to vector<8x128xi32>
      %eq3A_81 = arith.cmpi eq, %iota3A, %eq3A_80 : vector<8x128xi32>
      %eq3A_82 = arith.constant 4 : i32
      %eq3A_83 = vector.broadcast %eq3A_82 : i32 to vector<8x128xi32>
      %eq3A_84 = arith.cmpi eq, %iota3A_0, %eq3A_83 : vector<8x128xi32>
      %and3A_85 = arith.andi %eq3A_81, %eq3A_84 : vector<8x128xi1>
      %jit3A_86 = arith.constant 2.000000e+01 : f32
      %jit3A_87 = arith.constant 0.000000e+00 : f32
      %broadcast_in_dim3A_88 = vector.broadcast %jit3A_86 : f32 to vector<8x128xf32>
      %broadcast_in_dim3A_89 = vector.broadcast %jit3A_87 : f32 to vector<8x128xf32>
      %select_n3A_90 = arith.select %and3A_85, %broadcast_in_dim3A_88, %broadcast_in_dim3A_89 : vector<8x128xi1>, vector<8x128xf32>
      %add3A_91 = arith.addf %add3A_78, %select_n3A_90 : vector<8x128xf32>
      %eq3A_92 = arith.constant 0 : i32
      %eq3A_93 = vector.broadcast %eq3A_92 : i32 to vector<8x128xi32>
      %eq3A_94 = arith.cmpi eq, %iota3A, %eq3A_93 : vector<8x128xi32>
      %eq3A_95 = arith.constant 5 : i32
      %eq3A_96 = vector.broadcast %eq3A_95 : i32 to vector<8x128xi32>
      %eq3A_97 = arith.cmpi eq, %iota3A_0, %eq3A_96 : vector<8x128xi32>
      %and3A_98 = arith.andi %eq3A_94, %eq3A_97 : vector<8x128xi1>
      %jit3A_99 = arith.constant 1.000000e+00 : f32
      %jit3A_100 = arith.constant 0.000000e+00 : f32
      %broadcast_in_dim3A_101 = vector.broadcast %jit3A_99 : f32 to vector<8x128xf32>
      %broadcast_in_dim3A_102 = vector.broadcast %jit3A_100 : f32 to vector<8x128xf32>
      %select_n3A_103 = arith.select %and3A_98, %broadcast_in_dim3A_101, %broadcast_in_dim3A_102 : vector<8x128xi1>, vector<8x128xf32>
      %add3A_104 = arith.addf %add3A_91, %select_n3A_103 : vector<8x128xf32>
      %mul3A = arith.mulf %get3A_40, %add3A_104 : vector<8x128xf32>
      %reduce_sum3A_105 = vector.shape_cast %mul3A : vector<8x128xf32> to vector<1x8x128xf32>
      %reduce_sum3A_106 = arith.constant dense<0.000000e+00> : vector<1xf32>
      %reduce_sum3A_107 = vector.multi_reduction <add>, %reduce_sum3A_105, %reduce_sum3A_106 [1, 2] : vector<1x8x128xf32> to vector<1xf32>
      %reduce_sum3A_108 = vector.shape_cast %reduce_sum3A_107 : vector<1xf32> to vector<1x1x1xf32>
      %reduce_sum3A_109 = vector.extract %reduce_sum3A_108[0, 0, 0] : f32 from vector<1x1x1xf32>
      %eq3A_110 = arith.constant 0 : i32
      %eq3A_111 = vector.broadcast %eq3A_110 : i32 to vector<8x128xi32>
      %eq3A_112 = arith.cmpi eq, %iota3A, %eq3A_111 : vector<8x128xi32>
      %eq3A_113 = arith.constant 0 : i32
      %eq3A_114 = vector.broadcast %eq3A_113 : i32 to vector<8x128xi32>
      %eq3A_115 = arith.cmpi eq, %iota3A_0, %eq3A_114 : vector<8x128xi32>
      %and3A_116 = arith.andi %eq3A_112, %eq3A_115 : vector<8x128xi1>
      %jit3A_117 = arith.constant 0.000000e+00 : f32
      %broadcast_in_dim3A_118 = vector.broadcast %reduce_sum3A_109 : f32 to vector<8x128xf32>
      %broadcast_in_dim3A_119 = vector.broadcast %jit3A_117 : f32 to vector<8x128xf32>
      %select_n3A_120 = arith.select %and3A_116, %broadcast_in_dim3A_118, %broadcast_in_dim3A_119 : vector<8x128xi1>, vector<8x128xf32>
      %add3A_121 = arith.addf %get3A_40, %select_n3A_120 : vector<8x128xf32>
      %swap3A_122 = arith.constant 0 : index
      %swap3A_123 = arith.constant 0 : index
      %swap3A_124 = vector.load %arg4[%swap3A_122, %swap3A_123] : memref<8x128xf32, #tpu.memory_space<vmem>>, vector<8x128xf32>
      tpu.vector_store %arg4[%swap3A_122, %swap3A_123], %add3A_121 {strides = array<i32>} : memref<8x128xf32, #tpu.memory_space<vmem>>, vector<8x128xf32>,
    } else {
    }
    return
  }
  func.func @transform_0(%arg0: i32) -> (i32, i32, i32, i32, i32) {
    %c0_i32 = arith.constant 0 : i32
    %c6_i32 = arith.constant 6 : i32
    %c0_i32_0 = arith.constant 0 : i32
    %c0_i32_1 = arith.constant 0 : i32
    %c0_i32_2 = arith.constant 0 : i32
    return %arg0, %c0_i32, %c6_i32, %c0_i32_0, %c0_i32_1 : i32, i32, i32, i32, i32
  }
  func.func @transform_1(%arg0: i32) -> (i32, i32, i32) {
    %c0_i32 = arith.constant 0 : i32
    %c0_i32_0 = arith.constant 0 : i32
    %c0_i32_1 = arith.constant 0 : i32
    %c0_i32_2 = arith.constant 0 : i32
    return %c0_i32, %c0_i32_0, %c0_i32_1 : i32, i32, i32
  }
  func.func @transform_2(%arg0: i32) -> (i32, i32, i32) {
    %c0_i32 = arith.constant 0 : i32
    %c0_i32_0 = arith.constant 0 : i32
    %c0_i32_1 = arith.constant 0 : i32
    %c0_i32_2 = arith.constant 0 : i32
    return %c0_i32, %c0_i32_0, %c0_i32_1 : i32, i32, i32
  }
  func.func @transform_3(%arg0: i32) -> (i32, i32) {
    %c0_i32 = arith.constant 0 : i32
    %c0_i32_0 = arith.constant 0 : i32
    %c0_i32_1 = arith.constant 0 : i32
    return %c0_i32, %c0_i32_0 : i32, i32
  }
}

</mosaic_0001>

<sc_bundles>
// kernel: kernel.4.cloned.1.call-start
scs
__scs_entry_jumppad:
0x0: {  	(pc) =	sbr.rel $0x88, $3  }
0x1: {  	(tag) =	ssettag $0x0;
	lr =	simm.s32 $0x1  }
0x2: {  	[smem:$0x3F9F] =	sst lr;
	_ =	strace $0xD0000000  }
0x3: {  	_ = 	snop  }
0x4: {  	_ = 	snop  }
0x5: {  	_ = 	snop  }
0x6: {  	_ = 	snop  }
0x7: {  	_ = 	snop  }
__scs_overlays_trampoline_lowered:
0x8: {  	[smem:$0x3FAE] =	sst s0  }
0x9: {  	[smem:$0x3FAF] =	sst s1  }
0xa: {  	[smem:$0x3FB0] =	sst s2  }
0xb: {  	[smem:$0x3FB1] =	sst s3  }
0xc: {  	[smem:$0x3FB2] =	sst s4  }
0xd: {  	[smem:$0x3FB3] =	sst s5  }
0xe: {  	[smem:$0x3FB4] =	sst s6  }
0xf: {  	[smem:$0x3FB5] =	sst s7  }
0x10: {  	[smem:$0x3FB6] =	sst s8  }
0x11: {  	[smem:$0x3FB7] =	sst s9;
	s0 =	simm.s32 @!p0 $0x0  }
0x12: {  	s1 =	sld [smem:$0x3F9D];
	s0 =	simm.s32 @p0 $0x1  }
0x13: {  	[smem:$0x3FB8] =	sst s0;
	s0 =	simm.s32 @!p1 $0x0  }
0x14: {  	s2 =	sld [smem:$0x3F9C];
	s0 =	simm.s32 @p1 $0x1  }
0x15: {  	[smem:$0x3FB9] =	sst s0;
	s0 =	simm.s32 @!p2 $0x0  }
0x16: {  	s3 =	sld [smem:$0x3FDB];
	s0 =	simm.s32 @p2 $0x1  }
0x17: {  	s4 =	simm.s32 $0x1BF5;
	[smem:$0x3FBB] =	sst s0  }
0x18: {  	s0 =	sld [smem:$0x3F9E];
	_ =	swait.ge [sflag:s4], $0x0  }
0x19: {  	s7 =	sld [smem:$0x3F9F]  }
0x1a: {  	s8 =	sadd.s32 $0xFFFFE003, lr  }
0x1b: {  	s9 =	sadd.s32 $0xFFFFFEF7, lr;
	s5 =	simm.s32 $0xFFFFFFFF;
	p2 =	slt.u32 s8, $0xFFFFF086  }
0x1c: {  	p1 =	slt.u32 s9, $0xF7A;
	s5 =	simm.s32 @!p2 $0x0  }
0x1d: {  	s5 =	simm.s32 @p1 $0x1;
	p0 =	seq.s32 s7, s2  }
0x1e: {  	s7 =	smul.u32 @!p0 $0xF7A, s2;
	p2 =	seq.s32 @!p0 s5, $0x0  }
0x1f: {  	s9 =	smul.u32 $0xF7A, s1;
	s8 =	simm.s32 @!p0 $0x1BF5;
	p2 =	por !p2, p0  }
0x20: {  	[sflag:s8] =	ssyncset.s32 @!p0 $0xFFFFF086;
	s6 =	sadd.s32 @!p0 s3, s7;
	s7 =	simm.s32 @!p0 $0x108  }
0x21: {  	s3 =	sadd.s32 s3, s9;
	s6 =	sadd.s32 @!p0 $0x88, s6;
	s7 =	simm.s32 @p2 $0x1082  }
0x22: {  	[simem:s7], [sflag:s8] =	dma.local @!p0 [hbm:s6], $0xF7A  }
0x23: {  	s9 =	sor.u32 $0xD0000000, s2;
	s6 =	simm.s32 $0x108;
	_ =	swait.ge @!p0 [sflag:s8], $0x0  }
0x24: {  	s3 =	sadd.s32 $0x88, s3;
	s6 =	simm.s32 @!p1 $0x1082;
	[sflag:s4] =	ssyncset.s32 $0xFFFFF086  }
0x25: {  	[simem:s6], [sflag:s4] =	dma.local [hbm:s3], $0xF7A  }
0x26: {  	[smem:$0x3F9F] =	sst s1;
	(tag) =	ssettag s2;
	_ =	strace s9  }
0x27: {  	s1 =	sld [smem:$0x3FAF]  }
0x28: {  	s2 =	sld [smem:$0x3FB0]  }
0x29: {  	s4 =	sld [smem:$0x3FB2]  }
0x2a: {  	p0 =	seq.s32 s5, $0x0;
	s5 =	sld [smem:$0x3FB3]  }
0x2b: {  	s6 =	sld [smem:$0x3FB4]  }
0x2c: {  	s7 =	sld [smem:$0x3FB5]  }
0x2d: {  	s3 =	simm.s32 $0x108;
	s8 =	sld [smem:$0x3FB6]  }
0x2e: {  	s3 =	simm.s32 @!p0 $0x1082;
	s9 =	sld [smem:$0x3FB7]  }
0x2f: {  	lr =	sadd.s32 s0, s3;
	s0 =	sld [smem:$0x3FAE]  }
0x30: {  	s3 =	sld [smem:$0x3FB1]  }
0x31: {  	[smem:$0x3FBA] =	sst s10  }
0x32: {  	s10 =	sld [smem:$0x3FB8];
	_ =	sdelay $0x3  }
0x33: {  	p0 =	seq.s32 s10, $0x1;
	s10 =	sld [smem:$0x3FBA];
	_ =	sdelay $0x3  }
0x34: {  	[smem:$0x3FBA] =	sst s10  }
0x35: {  	s10 =	sld [smem:$0x3FB9];
	_ =	sdelay $0x3  }
0x36: {  	p1 =	seq.s32 s10, $0x1;
	s10 =	sld [smem:$0x3FBA];
	_ =	sdelay $0x3  }
0x37: {  	[smem:$0x3FBA] =	sst s10  }
0x38: {  	s10 =	sld [smem:$0x3FBB]  }
0x39: {  	_ = 	snop;
	(pc) =	sbr.ind lr, $3  }
0x3a: {  	_ = 	snop  }
0x3b: {  	_ = 	snop  }
0x3c: {  	p2 =	seq.s32 s10, $0x1;
	s10 =	sld [smem:$0x3FBA]  }
0x3d: {  	_ =	shalt  }
0x3e: {  	_ =	shalt  }
0x3f: {  	_ =	shalt  }
0x40: {  	_ =	shalt  }
0x41: {  	_ =	shalt  }
0x42: {  	_ =	shalt  }
0x43: {  	_ =	shalt  }
0x44: {  	_ =	shalt  }
0x45: {  	_ =	shalt  }
0x46: {  	_ =	shalt  }
0x47: {  	_ =	shalt  }
0x48: {  	_ =	shalt  }
0x49: {  	_ =	shalt  }
0x4a: {  	_ =	shalt  }
0x4b: {  	_ =	shalt  }
0x4c: {  	_ =	shalt  }
0x4d: {  	_ =	shalt  }
0x4e: {  	_ =	shalt  }
0x4f: {  	_ =	shalt  }
0x50: {  	_ =	shalt  }
0x51: {  	_ =	shalt  }
0x52: {  	_ =	shalt  }
0x53: {  	_ =	shalt  }
0x54: {  	_ =	shalt  }
0x55: {  	_ =	shalt  }
0x56: {  	_ =	shalt  }
0x57: {  	_ =	shalt  }
0x58: {  	_ =	shalt  }
0x59: {  	_ =	shalt  }
0x5a: {  	_ =	shalt  }
0x5b: {  	_ =	shalt  }
0x5c: {  	_ =	shalt  }
0x5d: {  	_ =	shalt  }
0x5e: {  	_ =	shalt  }
0x5f: {  	_ =	shalt  }
0x60: {  	_ =	shalt  }
0x61: {  	_ =	shalt  }
0x62: {  	_ =	shalt  }
0x63: {  	_ =	shalt  }
0x64: {  	_ =	shalt  }
0x65: {  	_ =	shalt  }
0x66: {  	_ =	shalt  }
0x67: {  	_ =	shalt  }
0x68: {  	_ =	shalt  }
0x69: {  	_ =	shalt  }
0x6a: {  	_ =	shalt  }
0x6b: {  	_ =	shalt  }
0x6c: {  	_ =	shalt  }
0x6d: {  	_ =	shalt  }
0x6e: {  	_ =	shalt  }
0x6f: {  	_ =	shalt  }
0x70: {  	_ =	shalt  }
0x71: {  	_ =	shalt  }
0x72: {  	_ =	shalt  }
0x73: {  	_ =	shalt  }
0x74: {  	_ =	shalt  }
0x75: {  	_ =	shalt  }
0x76: {  	_ =	shalt  }
0x77: {  	_ =	shalt  }
0x78: {  	_ =	shalt  }
0x79: {  	_ =	shalt  }
0x7a: {  	_ =	shalt  }
0x7b: {  	_ =	shalt  }
0x7c: {  	_ =	shalt  }
0x7d: {  	_ =	shalt  }
0x7e: {  	_ =	shalt  }
0x7f: {  	_ =	shalt  }
0x80: {  	_ =	shalt  }
0x81: {  	_ =	shalt  }
0x82: {  	_ =	shalt  }
0x83: {  	_ =	shalt  }
0x84: {  	_ =	shalt  }
0x85: {  	_ =	shalt  }
0x86: {  	_ =	shalt  }
0x87: {  	_ =	shalt  }
.Lfunc_end0:
.L_simem_size_0:
called_computation_lowered:
.L_overlay_start_0:
0x88: {  	s2 =	sld [smem:$0x3FD9]  }
0x89: {  	s3 =	sld [smem:$0x3FFE];
	_ =	sdelay $0x1  }
0x8a: {  	s1 =	srdreg.scid  }
0x8b: {  	s0 =	sand.u32 $0x1, s1  }
0x8c: {  	s16 =	sshll.u32 s0, $0xA;
	s2 =	sadd.s32 s3, s2  }
0x8d: {  	s2 =	sadd.s32 s2, s16  }
0x8e: {  	[smem:$0x3FC6] =	sst s2  }
0x8f: {  	_ = 	snop  }
0x90: {  	(tm) =	ssettm $0x1  }
0x91: {  	s17 =	sld [smem:$0x3FFB];
	_ =	sdelay $0x3  }
0x92: {  	_ =	strace s17  }
0x93: {  	s2 =	sld [smem:$0x3FFC];
	_ =	sdelay $0x3  }
0x94: {  	_ =	strace s2  }
0x95: {  	s2 =	sld [smem:$0x3FFD];
	_ =	sdelay $0x3  }
0x96: {  	_ =	strace s2  }
0x97: {  	_ =	strace $0x8FFFFFFF  }
0x98: {  	s18 =	sld [smem:$0x3FDB];
	_ =	sdelay $0x1  }
0x99: {  	s19 =	simm.s32 $_scs_section_size  }
0x9a: {  	s4 =	simm.s32 $_size__tile_overlayer_lowered;
	s5 =	simm.s32 $_tile_overlayer_lowered  }
0x9b: {  	s22 =	simm.s32 $0x1BFF;
	s21 =	sshll.u32 s5, $0x1;
	s2 =	sadd.s32 s19, s18  }
0x9c: {  	s6 =	simm.s32 $0x0;
	s20 =	sshll.u32 s4, $0x1;
	s4 =	sadd.s32 s21, s2  }
0x9d: {  	[timem:s6], [sflag:s22] =	dma.local [hbm:s4], s20  }
0x9e: {  	_ =	swait.ge [sflag:s22], s20  }
0x9f: {  	s3 =	ssub.s32 $0x0, s20;
	[sflag:s22] =	ssyncset.done $0x0  }
0xa0: {  	[sflag:s22] =	ssyncadd.s32 s3;
	_ =	sdelay $0x1  }
0xa1: {  	s23 =	simm.s32 $0x1B8B  }
0xa2: {  	_ =	swait.ge [sflag:s23], $0x1  }
0xa3: {  	[sflag:s23] =	ssyncset.done $0x0  }
0xa4: {  	s25 =	simm.s32 $0x1B8E;
	s24 =	sld [smem:$0x3FFE];
	[sflag:s23] =	ssyncadd.s32 $0xFFFFFFFF  }
0xa5: {  	s26 =	simm.s32 $execute0_lowered;
	[smem:$0x3FD2] =	sst s25  }
0xa6: {  	s4 =	sshll.u32 s26, $0x1;
	_ =	strace $0x80000046;
	[dreg:$0x1] =	wrdreg $0xFFFFFFFF  }
0xa7: {  	s28 =	simm.s32 $_size_execute0_lowered;
	s2 =	sadd.s32 s2, s4;
	[dreg:$0x0] =	wrdreg $0x0  }
0xa8: {  	s4 =	sshll.u32 s28, $0x1;
	[dreg:$0x2] =	wrdreg s2  }
0xa9: {  	[dreg:$0x3] =	wrdreg s4  }
0xaa: {  	[dreg:$0x4] =	wrdreg $0xC0  }
0xab: {  	_ =	task [dreg:s6], $0x5FFFF  }
0xac: {  	[dreg:$0x1] =	wrdreg $0xFFFFFFFF  }
0xad: {  	[dreg:$0x0] =	wrdreg $0x60  }
0xae: {  	[dreg:$0x2] =	wrdreg s24  }
0xaf: {  	[dreg:$0x3] =	wrdreg $0x9  }
0xb0: {  	_ =	task.clear_ibuf [dreg:s6], $0x4FFFF;
	_ =	strace $0x90000046  }
0xb1: {  	s29 =	simm.s32 $0x9;
	_ =	strace $0x80000048  }
0xb2: {  	_ =	swait.ge [sflag:s29], $0x1  }
0xb3: {  	[sflag:s29] =	ssyncadd.s32 $0xFFFFFFFF  }
0xb4: {  	_ =	strace $0x90000048  }
0xb5: {  	_ =	sfence  }
0xb6: {  	s30 =	sld [smem:$0x0];
	_ =	sdelay $0x2  }
0xb7: {  	s31 =	sshll.u32 s1, $0xD;
	s1 =	sshrl.u32 s1, $0x2  }
0xb8: {  	s3 =	sand.u32 $0x4000, s31;
	s1 =	sadd.s32 s1, s30  }
0xb9: {  	s0 =	sor.u32 s3, s0;
	s1 =	sshll.u32 s1, $0x11  }
0xba: {  	s0 =	sor.u32 s1, s0  }
0xbb: {  	s0 =	sadd.s32 $0x8F2B, s0  }
0xbc: {  	[sflag:s0] =	ssyncadd.remote.s32 $0x1  }
0xbd: {  	_ =	sfence.sel $0xFFFF  }
0xbe: {  	[dreg:$0x0] =	wrdreg $0xFFFFFFFF;
	(pc) =	sbr.abs _section_cstart, $3  }
0xbf: {  	[dreg:$0x1] =	wrdreg $0xFFFFFFFF  }
0xc0: {  	_ =	task.clear_ibuf [dreg:s6], $0x2FFFF;
	_ =	strace $0x9FFFFFFF  }
0xc1: {  	(tm) =	ssettm $0x7FFFFFFF  }
tec
execute0_lowered:
.L_overlay_start_1:
0x0: {  	(tag) =	ssettag $0x1  }
0x1: {  	s4 =	rddreg [dreg:$0x0];
	s2 =	simm.s32 $0x0  }
0x2: {  	[smem:$0x7FF] =	sst s2  }
0x3: {  	s0 =	rddreg [dreg:$0x1];
	v0 =	vimm.f32 $8.789062500e-02;
	_ =	strace $0x80000047  }
0x4: {  	(erf) = vrcp.f32 v0;
	v0 =	vimm.f32 $1.562500000e-02  }
0x5: {  	(erf) = vrcp.f32 v0;
	_ =	sdelay $0x2  }
0x6: {  	s1 =	stileid.u32  }
0x7: {  	p0 =	sgt.u32 s1, $0x7  }
.Ltmp0:
0x8: {  	_ = 	snop;
	(pc) =	sbr.rel @p0 .LBB2_4-.Ltmp0, $3  }
0x9: {  	_ =	sdelay $0x1  }
0xa: {  	v0 =	vpop (erf)  }
0xb: {  	v1 =	vpop (erf)  }
0xc: {  	s3 =	srdreg.scid  }
0xd: {  	s28 =	sshll.u32 s1, $0x1;
	s6 =	sand.u32 $0x1, s3  }
0xe: {  	s7 =	sor.u32 s6, s28  }
0xf: {  	s29 =	sadd.s32 $0x380C00, s4;
	s5 =	sshll.u32 s7, $0x7  }
0x10: {  	s3 =	simm.s32 $0x2;
	s13 =	sadd.s32 s29, s5  }
0x11: {  	[tilespmem:s2], [sflag:$0x2] =	stream.linear.gather [hbm4b:s13+s2], $0x380, $0x38;
	[tilespmem:$0x7500] =	vst v63  }
0x12: {  	_ =	swait.ge [sflag:s3], $0x380  }
0x13: {  	[sflag:s3] =	ssyncset.done $0x0  }
0x14: {  	[sflag:s3] =	ssyncadd.s32 $0xFFFFFC80  }
0x15: {  	v3 =	vld [tilespmem:$0x80]  }
0x16: {  	s8 =	smul.u32 $0x7000, s7;
	v2 =	vld [tilespmem:$0x0]  }
0x17: {  	s9 =	ssub.s32 $0x2, s6  }
0x18: {  	s31 =	sshrl.u32 s9, $0x1;
	s8 =	sshrl.u32 s8, $0x3  }
0x19: {  	s30 =	sadd.s32 s8, s4;
	s8 =	ssub.s32 s9, s31  }
0x1a: {  	s14 =	smax.u32 s8, $0x1;
	v4 =	vld [tilespmem:$0x10];
	v3 =	vmul.f32 v3, v1  }
0x1b: {  	p0 =	sne.s32 s14, $0x1;
	v2 =	vadd.f32 $1.800000000e+02, v2  }
.Ltmp1:
0x1c: {  	v7 =	vtrunc.f32 v3;
	v3 =	vld [tilespmem:$0x90];
	(pc) =	sbr.rel @!p0 .LBB2_3-.Ltmp1, $4  }
0x1d: {  	s10 =	simm.s32 $0x400;
	s12 =	simm.s32 $0x480;
	v5 =	vmul.f32 v2, v0  }
0x1e: {  	s7 =	smul.u32 $0x3800, s7;
	s5 =	sadd.s32 $0xC00, s4;
	s9 =	simm.s32 $0x70  }
0x1f: {  	s11 =	simm.s32 $0x1;
	s6 =	sadd.s32 $0x381400, s30;
	s4 =	sadd.s32 $0x381B00, s30;
	v6 =	vadd.f32 $1.800000000e+02, v4;
	v5 =	vtrunc.f32 v5  }
0x20: {  	s8 =	simm.s32 $0x3D00;
	s14 =	sadd.s32 $0xFFFFFFFF, s14;
	v2 =	vmov s7;
	s7 =	simm.s32 $0x500;
	v4 =	vcvt.f32.s32 v5;
	v5 =	vcvt.f32.s32 v7  }
.LBB2_2:
0x21: {  	p0 =	sne.s32 s14, $0x1;
	s14 =	sadd.s32 $0xFFFFFFFF, s14;
	v6 =	vmul.f32 v6, v0;
	v3 =	vmul.f32 v3, v1  }
0x22: {  	v4 =	vshra.s32 v4, $0x7;
	v5 =	vmul.u32 $0xE0, v5  }
0x23: {  	v4 =	vadd.s32 v2, v4;
	v6 =	vtrunc.f32 v6;
	v3 =	vtrunc.f32 v3  }
0x24: {  	v4 =	vadd.s32 v5, v4;
	v5 =	vcvt.f32.s32 v6;
	v3 =	vcvt.f32.s32 v3  }
0x25: {  	[tilespmem:$0x400] =	vst v4;
	v6 =	vadd.s32 $0x60, v4;
	v7 =	vadd.s32 $0x80, v4  }
0x26: {  	v8 =	vadd.s32 $0x20, v4;
	v9 =	vadd.s32 $0x40, v4;
	[tilespmem:$0x490] =	vst v7;
	v3 =	vmul.u32 $0xE0, v3  }
0x27: {  	v7 =	vadd.s32 $0xA0, v4;
	v5 =	vshra.s32 v5, $0x7;
	[tilespmem:$0x440] =	vst v9  }
0x28: {  	v4 =	vadd.s32 $0xC0, v4;
	v5 =	vadd.s32 v2, v5;
	[tilespmem:$0x4B0] =	vst v7  }
0x29: {  	v3 =	vadd.s32 v3, v5;
	[tilespmem:$0x420] =	vst v8  }
0x2a: {  	v5 =	vadd.s32 $0x20, v3;
	v7 =	vadd.s32 $0x40, v3;
	v8 =	vadd.s32 $0x60, v3;
	[tilespmem:$0x410] =	vst v3  }
0x2b: {  	v9 =	vadd.s32 $0xA0, v3;
	[tilespmem:$0x4D0] =	vst v4;
	v4 =	vadd.s32 $0x80, v3;
	v3 =	vadd.s32 $0xC0, v3  }
0x2c: {  	[tilespmem:$0x430] =	vst v5  }
0x2d: {  	[tilespmem:$0x460] =	vst v6  }
0x2e: {  	[tilespmem:$0x450] =	vst v7  }
0x2f: {  	[tilespmem:$0x480] =	vst v8  }
0x30: {  	[tilespmem:$0x4E0] =	vst v3  }
0x31: {  	[tilespmem:$0x4C0] =	vst v9  }
0x32: {  	[tilespmem:$0x4A0] =	vst v4  }
0x33: {  	[tilespmem:s7], [sflag:$0x1] =	stream.indirect.gather [hbm4b:s5+s9], $0x80, s10, s9, $0xb8;
	[tilespmem:$0x7500] =	vst v63  }
0x34: {  	_ = 	snop  }
0x35: {  	[tilespmem:s8], [sflag:$0x1] =	stream.indirect.gather [hbm4b:s5+s9], $0x80, s12, s9, $0xb8;
	[tilespmem:$0x7500] =	vst v63  }
0x36: {  	_ =	swait.ge [sflag:s11], $0x3800  }
0x37: {  	[sflag:s11] =	ssyncset.done $0x0  }
0x38: {  	[sflag:s11] =	ssyncadd.s32 $0xFFFFC800  }
0x39: {  	_ =	swait.ge [sflag:s11], $0x3800  }
0x3a: {  	[sflag:s11] =	ssyncset.done $0x0  }
0x3b: {  	[sflag:s11] =	ssyncadd.s32 $0xFFFFC800  }
0x3c: {  	[hbm4b:s6+s2] =	stream.linear.scatter [tilespmem:s7], [sflag:$0x2], $0x3800, $0x38;
	[tilespmem:$0x7500] =	vst v63  }
0x3d: {  	_ =	swait.ge [sflag:s3], $0x3800  }
0x3e: {  	[sflag:s3] =	ssyncset.done $0x0  }
0x3f: {  	[sflag:s3] =	ssyncadd.s32 $0xFFFFC800  }
0x40: {  	[hbm4b:s4+s2] =	stream.linear.scatter [tilespmem:s8], [sflag:$0x2], $0x3800, $0x38;
	[tilespmem:$0x7500] =	vst v63  }
0x41: {  	_ =	swait.ge [sflag:s3], $0x3800  }
0x42: {  	[sflag:s3] =	ssyncset.done $0x0  }
0x43: {  	[sflag:s3] =	ssyncadd.s32 $0xFFFFC800  }
0x44: {  	[tilespmem:s2], [sflag:$0x2] =	stream.linear.gather [hbm4b:s13+s2], $0x380, $0x38;
	[tilespmem:$0x7500] =	vst v63  }
0x45: {  	_ =	swait.ge [sflag:s3], $0x380  }
0x46: {  	[sflag:s3] =	ssyncset.done $0x0  }
0x47: {  	[sflag:s3] =	ssyncadd.s32 $0xFFFFFC80  }
0x48: {  	v3 =	vld [tilespmem:$0x0];
	_ =	sdelay $0x1  }
0x49: {  	v4 =	vld [tilespmem:$0x80];
	_ =	sdelay $0x1  }
0x4a: {  	v5 =	vld [tilespmem:$0x10]  }
0x4b: {  	v6 =	vadd.f32 $1.800000000e+02, v3  }
.Ltmp2:
0x4c: {  	v3 =	vld [tilespmem:$0x90];
	(pc) =	sbr.rel @p0 .LBB2_2-.Ltmp2, $3  }
0x4d: {  	v6 =	vmul.f32 v6, v0;
	v4 =	vmul.f32 v4, v1;
	_ =	sdelay $0x1  }
0x4e: {  	v7 =	vtrunc.f32 v6;
	v8 =	vtrunc.f32 v4;
	v6 =	vadd.f32 $1.800000000e+02, v5  }
0x4f: {  	v4 =	vcvt.f32.s32 v7;
	v5 =	vcvt.f32.s32 v8  }
.LBB2_3:
0x50: {  	_ = 	snop  }
0x51: {  	v52 =	vshra.s32 v4, $0x7;
	v53 =	vmul.u32 $0xE0, v5  }
0x52: {  	v1 =	vmul.f32 v3, v1;
	v3 =	vadd.s32 v2, v52  }
0x53: {  	v0 =	vmul.f32 v6, v0;
	v3 =	vadd.s32 v53, v3  }
0x54: {  	[tilespmem:$0x400] =	vst v3;
	v4 =	vadd.s32 $0x80, v3  }
0x55: {  	v0 =	vtrunc.f32 v0;
	v1 =	vtrunc.f32 v1;
	v54 =	vadd.s32 $0x40, v3;
	[tilespmem:$0x490] =	vst v4  }
0x56: {  	v0 =	vcvt.f32.s32 v0;
	v1 =	vcvt.f32.s32 v1;
	v55 =	vadd.s32 $0xA0, v3;
	[tilespmem:$0x440] =	vst v54  }
0x57: {  	v56 =	vadd.s32 $0x20, v3;
	[tilespmem:$0x4B0] =	vst v55  }
0x58: {  	v57 =	vadd.s32 $0xC0, v3;
	v1 =	vmul.u32 $0xE0, v1;
	v0 =	vshra.s32 v0, $0x7;
	[tilespmem:$0x420] =	vst v56  }
0x59: {  	v59 =	vadd.s32 $0x60, v3;
	[tilespmem:$0x4D0] =	vst v57;
	v0 =	vadd.s32 v2, v0  }
0x5a: {  	[tilespmem:$0x460] =	vst v59;
	v0 =	vadd.s32 v1, v0  }
0x5b: {  	[tilespmem:$0x410] =	vst v0;
	v58 =	vadd.s32 $0x20, v0  }
0x5c: {  	v60 =	vadd.s32 $0x40, v0;
	[tilespmem:$0x430] =	vst v58  }
0x5d: {  	v61 =	vadd.s32 $0x60, v0;
	[tilespmem:$0x450] =	vst v60  }
0x5e: {  	v62 =	vadd.s32 $0xC0, v0;
	[tilespmem:$0x480] =	vst v61  }
0x5f: {  	v63 =	vadd.s32 $0xA0, v0;
	[tilespmem:$0x4E0] =	vst v62  }
0x60: {  	v0 =	vadd.s32 $0x80, v0;
	[tilespmem:$0x4C0] =	vst v63  }
0x61: {  	[tilespmem:$0x4A0] =	vst v0  }
0x62: {  	[tilespmem:s7], [sflag:$0x1] =	stream.indirect.gather [hbm4b:s5+s9], $0x80, s10, s9, $0xb8;
	[tilespmem:$0x7500] =	vst v63  }
0x63: {  	_ = 	snop  }
0x64: {  	[tilespmem:s8], [sflag:$0x1] =	stream.indirect.gather [hbm4b:s5+s9], $0x80, s12, s9, $0xb8;
	[tilespmem:$0x7500] =	vst v63  }
0x65: {  	_ =	swait.ge [sflag:s11], $0x3800  }
0x66: {  	[sflag:s11] =	ssyncset.done $0x0  }
0x67: {  	[sflag:s11] =	ssyncadd.s32 $0xFFFFC800  }
0x68: {  	_ =	swait.ge [sflag:s11], $0x3800  }
0x69: {  	[sflag:s11] =	ssyncset.done $0x0  }
0x6a: {  	[sflag:s11] =	ssyncadd.s32 $0xFFFFC800  }
0x6b: {  	[hbm4b:s6+s2] =	stream.linear.scatter [tilespmem:s7], [sflag:$0x2], $0x3800, $0x38;
	[tilespmem:$0x7500] =	vst v63  }
0x6c: {  	_ =	swait.ge [sflag:s3], $0x3800  }
0x6d: {  	[sflag:s3] =	ssyncset.done $0x0  }
0x6e: {  	[sflag:s3] =	ssyncadd.s32 $0xFFFFC800  }
0x6f: {  	[hbm4b:s4+s2] =	stream.linear.scatter [tilespmem:s8], [sflag:$0x2], $0x3800, $0x38;
	[tilespmem:$0x7500] =	vst v63  }
0x70: {  	_ =	swait.ge [sflag:s3], $0x3800  }
0x71: {  	[sflag:s3] =	ssyncset.done $0x0  }
0x72: {  	[sflag:s3] =	ssyncadd.s32 $0xFFFFC800  }
.LBB2_4:
0x73: {  	_ =	sfence.sel $0x180000  }
0x74: {  	[bflag:$0x0] =	sbarrier.arrive $0xFFFF  }
0x75: {  	p0 =	sne.s32 s1, $0x0;
	_ =	strace $0x90000047  }
0x76: {  	s0 =	sadd.s32 @!p0 $0x100000, s0;
	[bflag:$0x2] =	sbarrier.arrive $0xFFFF  }
0x77: {  	[sflag:s0] =	ssyncadd.tile.s32 @!p0 $0x1;
	_ =	shalt  }
.Lfunc_end2:
_tile_overlayer_lowered:
.L_overlay_start_2:
0x78: {  	(tag) =	ssettag $0x2  }
0x79: {  	s0 =	rddreg [dreg:$0x0];
	s2 =	stileid.u32  }
0x7a: {  	s1 =	rddreg [dreg:$0x1];
	p0 =	sne.s32 s2, $0x0  }
0x7b: {  	s3 =	rddreg [dreg:$0x2];
	[bflag:$0x3] =	sbarrier.arrive $0xFFFF;
	s2 =	simm.s32 @!p0 $0x1C02  }
0x7c: {  	[timem:s3], [sflag:s2] =	dma.local @!p0 [hbm:s0], s1  }
0x7d: {  	s0 =	simm.s32 @!p0 $0x2  }
0x7e: {  	_ =	swait.ge @!p0 [sflag:s0], s1  }
0x7f: {  	s1 =	ssub.s32 @!p0 $0x0, s1;
	[sflag:s0] =	ssyncset.done @!p0 $0x0  }
0x80: {  	[sflag:s0] =	ssyncadd.s32 @!p0 s1  }
0x81: {  	[bflag:$0x3] =	sbarrier.arrive $0xFFFF  }
0x82: {  	_ =	shalt  }

</sc_bundles>
